<compile_context>
chip_gen: v7x
topology: tpu7x:2x2x1
jax: 0.10.2.dev20260603
libtpu: 0.0.44.dev20260713+nightly
codegen_flags: <defaults>
</compile_context>

<pallas_src>
import functools

import jax
import jax.numpy as jnp
from jax import lax
from jax.experimental import pallas as pl
from jax.experimental.pallas import tpu as pltpu
from jax.experimental.pallas import tpu_sc as plsc

N_NODES = 10000
D = 128
TIMESTEP = 3

ROW_BLK = 5000

NTILES = 16
CHUNK = 128
EDGES = 160000
NCHUNK = 80
EPT = NCHUNK * CHUNK
STRIDE = 9984
NPAD = 10240
SLICE = NPAD // NTILES


def _tc_body(x_ref, deg_ref, win_ref, wout_ref, wih_ref, whh_ref,
             bih_ref, bhh_ref, out_ref, degt_scr):
    i = pl.program_id(0)
    xb = x_ref[...]
    dn = (((1,), (1,)), ((), ()))
    bf = jnp.bfloat16
    xb16 = xb.astype(bf)
    whh16 = whh_ref[...].astype(bf)
    wio16 = jnp.concatenate([win_ref[...], wout_ref[...]], axis=0).astype(bf)
    po = lax.dot_general(xb16, wio16, dn,
                         preferred_element_type=jnp.float32)

    @pl.when(i == 0)
    def _():
        degt_scr[...] = jnp.transpose(deg_ref[...])

    degb = degt_scr[pl.ds(i * ROW_BLK, ROW_BLK), :]
    a_in = jnp.where(degb[:, 0:1] > 0.0, po[:, :D], 0.0)
    a_out = jnp.where(degb[:, 1:2] > 0.0, po[:, D:], 0.0)
    gf = jnp.maximum(a_in, a_out)
    wih16 = wih_ref[...].astype(bf)

    def sigmoid(v):
        return 0.5 * jnp.tanh(0.5 * v) + 0.5

    gi = lax.dot_general(gf.astype(bf), wih16, dn,
                         preferred_element_type=jnp.float32) + bih_ref[...]
    h = xb
    for _ in range(TIMESTEP):
        gh = lax.dot_general(h.astype(bf), whh16, dn,
                             preferred_element_type=jnp.float32) + bhh_ref[...]
        r = sigmoid(gi[:, :D] + gh[:, :D])
        z = sigmoid(gi[:, D:2 * D] + gh[:, D:2 * D])
        n = jnp.tanh(gi[:, 2 * D:] + r * gh[:, 2 * D:])
        h = n + z * (h - n)
    out_ref[...] = h


def _dense_stage(x, deg, We_in, We_out, w_ih, w_hh, b_ih, b_hh):
    n = x.shape[0]
    grid = n // ROW_BLK
    wspec = lambda a: pl.BlockSpec(a.shape, lambda i: (0,) * a.ndim)
    return pl.pallas_call(
        _tc_body,
        grid=(grid,),
        in_specs=[
            pl.BlockSpec((ROW_BLK, D), lambda i: (i, 0)),
            wspec(deg),
            wspec(We_in), wspec(We_out), wspec(w_ih), wspec(w_hh),
            wspec(b_ih), wspec(b_hh),
        ],
        out_specs=pl.BlockSpec((ROW_BLK, D), lambda i: (i, 0)),
        out_shape=jax.ShapeDtypeStruct((n, D), jnp.float32),
        scratch_shapes=[pltpu.VMEM((NPAD, 2), jnp.float32)],
    )(x, deg, We_in, We_out, w_ih, w_hh, b_ih, b_hh)


UNROLL = 1


def _sc_mask_body(ein_ref, eout_ref, out_ref, idx_v, ones_v, zeros_v,
                  dummy_v, shared, idx_sem, sc_sem):
    c = lax.axis_index("c")
    s = lax.axis_index("s")
    base = pl.multiple_of(s * STRIDE, CHUNK)

    def start_stage(e_ref):
        def body(j8, carry):
            for k in range(UNROLL):
                j = j8 * UNROLL + k
                pltpu.make_async_copy(
                    e_ref.at[:, pl.ds(base + j * CHUNK, CHUNK)],
                    idx_v.at[j], idx_sem).start()
            return carry
        lax.fori_loop(0, NCHUNK // UNROLL, body, 0)

    @pl.when(c == 0)
    def _():
        start_stage(ein_ref)

    @pl.when(c == 1)
    def _():
        start_stage(eout_ref)

    for i in range(CHUNK // 16):
        ones_v[pl.ds(i * 16, 16)] = jnp.full((16,), 1.0, jnp.float32)
    for i in range(SLICE // 16):
        zeros_v[pl.ds(i * 16, 16)] = jnp.zeros((16,), jnp.float32)
    pltpu.sync_copy(zeros_v, shared.at[pl.ds(s * SLICE, SLICE)])

    pltpu.make_async_copy(ein_ref.at[:, pl.ds(0, NCHUNK * CHUNK)],
                          dummy_v, idx_sem).wait()
    plsc.subcore_barrier()

    def fire(j8, carry):
        for k in range(UNROLL):
            j = j8 * UNROLL + k
            pltpu.async_copy(ones_v, shared.at[idx_v.at[j, 1]], sc_sem,
                             add=True)
        return carry

    lax.fori_loop(0, NCHUNK // UNROLL, fire, 0)
    pltpu.make_async_copy(ein_ref.at[:, pl.ds(0, NCHUNK * CHUNK // 2)],
                          dummy_v.at[:, pl.ds(0, NCHUNK * CHUNK // 2)],
                          sc_sem).wait()

    plsc.subcore_barrier()
    pltpu.sync_copy(shared.at[pl.ds(s * SLICE, SLICE)],
                    out_ref.at[c, pl.ds(s * SLICE, SLICE)])


_sc_masks = pl.kernel(
    _sc_mask_body,
    out_type=jax.ShapeDtypeStruct((2, NPAD), jnp.float32),
    mesh=plsc.VectorSubcoreMesh(core_axis_name="c", subcore_axis_name="s"),
    scratch_types=[
        pltpu.VMEM((NCHUNK, 2, CHUNK), jnp.int32),
        pltpu.VMEM((CHUNK,), jnp.float32),
        pltpu.VMEM((SLICE,), jnp.float32),
        pltpu.VMEM((2, NCHUNK * CHUNK), jnp.int32),
        pltpu.VMEM_SHARED((NPAD,), jnp.float32),
        pltpu.SemaphoreType.DMA,
        pltpu.SemaphoreType.DMA,
    ],
)


def kernel(x, We_in, We_out, w_ih, w_hh, b_ih, b_hh, edge_index_in,
           edge_index_out):
    deg = _sc_masks(edge_index_in.astype(jnp.int32),
                    edge_index_out.astype(jnp.int32))
    return _dense_stage(x, deg, We_in, We_out, w_ih, w_hh,
                        b_ih.reshape(1, 3 * D), b_hh.reshape(1, 3 * D))

# --- scband reference (transcript-rebuilt; emitter-appended) ---
"""Pipeline reference for scband-gated-gnn-15693810499780 (READ-ONLY COPY).

The authoritative reference and input builder live on the scoring server;
editing this copy changes nothing except your own understanding.
"""

import jax, jax.numpy as jnp
import numpy as np

N_NODES = 10000
N_EDGES = 160000
D = 128
TIMESTEP = 3


def setup_inputs(seed: int = 0) -> dict:
    key = jax.random.key(seed)
    ks = jax.random.split(key, 10)
    scale = 1.0 / np.sqrt(D)
    x = jax.random.normal(ks[0], (N_NODES, D), dtype=jnp.float32)
    edge_index_in = jax.random.randint(ks[1], (2, N_EDGES), 0, N_NODES)
    edge_index_out = jax.random.randint(ks[2], (2, N_EDGES), 0, N_NODES)
    We_in = jax.random.uniform(ks[3], (D, D), minval=-scale, maxval=scale, dtype=jnp.float32)
    We_out = jax.random.uniform(ks[4], (D, D), minval=-scale, maxval=scale, dtype=jnp.float32)
    w_ih = jax.random.uniform(ks[5], (3 * D, D), minval=-scale, maxval=scale, dtype=jnp.float32)
    w_hh = jax.random.uniform(ks[6], (3 * D, D), minval=-scale, maxval=scale, dtype=jnp.float32)
    b_ih = jax.random.uniform(ks[7], (3 * D,), minval=-scale, maxval=scale, dtype=jnp.float32)
    b_hh = jax.random.uniform(ks[8], (3 * D,), minval=-scale, maxval=scale, dtype=jnp.float32)
    return {"x": x, "We_in": We_in, "We_out": We_out, "w_ih": w_ih, "w_hh": w_hh,
            "b_ih": b_ih, "b_hh": b_hh, "edge_index_in": edge_index_in, "edge_index_out": edge_index_out}


def _gru_cell(xf, h, w_ih, w_hh, b_ih, b_hh):
    gi = xf @ w_ih.T + b_ih
    gh = h @ w_hh.T + b_hh
    i_r, i_z, i_n = jnp.split(gi, 3, axis=-1)
    h_r, h_z, h_n = jnp.split(gh, 3, axis=-1)
    r = jax.nn.sigmoid(i_r + h_r)
    z = jax.nn.sigmoid(i_z + h_z)
    n = jnp.tanh(i_n + r * h_n)
    return (1.0 - z) * n + z * h


def _edge_type_agg(x, W, dst, num_nodes):
    # edge_func: apply Linear (no bias) to DESTINATION node features of prev_key
    proj = x @ W.T                      # [N, edge_out]
    msg = jnp.take(proj, dst, axis=0)   # gather per edge
    # update_all with max reduce -> per-destination segment max; DGL gives 0 for nodes w/o in-edges
    m = jax.ops.segment_max(msg, dst, num_segments=num_nodes)
    deg = jax.ops.segment_sum(jnp.ones((dst.shape[0],), dtype=x.dtype), dst, num_segments=num_nodes)
    has_edge = deg > 0
    return jnp.where(has_edge[:, None], m, 0.0)


def reference(x, We_in, We_out, w_ih, w_hh, b_ih, b_hh, edge_index_in, edge_index_out):
    num_nodes = x.shape[0]
    dst_in = edge_index_in[1]
    dst_out = edge_index_out[1]
    prev_state = x  # graph.ndata[prev_key]
    for step in range(TIMESTEP):
        # graph.ndata[prev_key] is never updated inside the local scope, so messages use x each step
        a_in = _edge_type_agg(x, We_in, dst_in, num_nodes)
        a_out = _edge_type_agg(x, We_out, dst_out, num_nodes)
        graph_feature = jnp.max(jnp.stack([a_in, a_out], axis=1), axis=1)
        prev_state = _gru_cell(graph_feature, prev_state, w_ih, w_hh, b_ih, b_hh)
        # dropout p=0.0 -> identity
    return prev_state

if __name__ == "__main__":
    import jax
    _d = setup_inputs()
    print(jax.jit(kernel)(*tuple(_d.values())))

</pallas_src>

<mosaic_0001>
#map = affine_map<(d0, d1) -> (0, 0)>
module attributes {stable_mosaic.version = 14 : i64} {
  func.func @_sc_mask_body(%arg0: i32, %arg1: i32, %arg2: memref<2x160000xi32, #tpu.memory_space<hbm>>, %arg3: memref<2x160000xi32, #tpu.memory_space<hbm>>, %arg4: memref<2x10240xf32, #tpu.memory_space<hbm>>, %arg5: memref<80x2x128xi32, #tpu.memory_space<vmem>>, %arg6: memref<128xf32, #tpu.memory_space<vmem>>, %arg7: memref<640xf32, #tpu.memory_space<vmem>>, %arg8: memref<2x10240xi32, #tpu.memory_space<vmem>>, %arg9: memref<10240xf32, #tpu.memory_space<vmem_shared>>, %arg10: memref<!tpu.dma_semaphore, #tpu.memory_space<semaphore_mem>>, %arg11: memref<!tpu.dma_semaphore, #tpu.memory_space<semaphore_mem>>) attributes {dimension_semantics = [#tpu.dimension_semantics<core_parallel>, #tpu.dimension_semantics<subcore_parallel>], iteration_bounds = array<i64: 2, 16>, scalar_prefetch = 0 : i64, scratch_operands = 7 : i64, tpu.core_type = #tpu.core_type<sc_vector_subcore>, window_params = [{transform_indices = #map}, {transform_indices = #map}, {transform_indices = #map}]} {
    %mul3A = arith.constant 9984 : i32
    %mul3A_0 = arith.muli %arg1, %mul3A : i32
    %multiple_of3A = tpu.assume_multiple %mul3A_0, 128 : i32
    %eq3A = arith.constant 0 : i32
    %eq3A_1 = arith.cmpi eq, %arg0, %eq3A : i32
    %convert_element_type3A = arith.extui %eq3A_1 : i1 to i32
    %cond3A = arith.constant 0 : i32
    %cond3A_2 = arith.cmpi ne, %convert_element_type3A, %cond3A : i32
    scf.if %cond3A_2 {
      %scan3A_323 = arith.constant 0 : i32
      %scan3A_324 = arith.constant 0 : i32
      %scan3A_325 = arith.constant 80 : i32
      %scan3A_326 = arith.addi %scan3A_324, %scan3A_325 : i32
      %scan3A_327 = arith.constant 1 : i32
      scf.for %scan3A_329 = %scan3A_324 to %scan3A_326 step %scan3A_327  : i32 {
        %mul3A_330 = arith.constant 1 : i32
        %mul3A_331 = arith.muli %scan3A_329, %mul3A_330 : i32
        %add3A = arith.constant 0 : i32
        %add3A_332 = arith.addi %mul3A_331, %add3A : i32
        %mul3A_333 = arith.constant 128 : i32
        %mul3A_334 = arith.muli %add3A_332, %mul3A_333 : i32
        %add3A_335 = arith.addi %multiple_of3A, %mul3A_334 : i32
        %dma_start3A = arith.constant 0 : i32
        %dma_start3A_336 = arith.constant 0 : i32
        %dma_start3A_337 = tpu.memref_slice %arg5[%add3A_332, %dma_start3A, %dma_start3A_336] : memref<80x2x128xi32, #tpu.memory_space<vmem>> -> memref<1x2x128xi32, #tpu.memory_space<vmem>>
        %dma_start3A_338 = tpu.memref_squeeze %dma_start3A_337 : memref<1x2x128xi32, #tpu.memory_space<vmem>> -> memref<2x128xi32, #tpu.memory_space<vmem>>
        %dma_start3A_339 = arith.constant 0 : i32
        %dma_start3A_340 = tpu.memref_slice %arg2[%dma_start3A_339, %add3A_335] : memref<2x160000xi32, #tpu.memory_space<hbm>> -> memref<2x128xi32, #tpu.memory_space<hbm>>
        %dma_start3A_341 = arith.constant 0 : i32
        %dma_start3A_342 = arith.constant 0 : i32
        %dma_start3A_343 = tpu.memref_slice %arg5[%add3A_332, %dma_start3A_341, %dma_start3A_342] : memref<80x2x128xi32, #tpu.memory_space<vmem>> -> memref<1x2x128xi32, #tpu.memory_space<vmem>>
        %dma_start3A_344 = tpu.memref_squeeze %dma_start3A_343 : memref<1x2x128xi32, #tpu.memory_space<vmem>> -> memref<2x128xi32, #tpu.memory_space<vmem>>
        %dma_start3A_345 = arith.constant 0 : i32
        %dma_start3A_346 = tpu.memref_slice %arg2[%dma_start3A_345, %add3A_335] : memref<2x160000xi32, #tpu.memory_space<hbm>> -> memref<2x128xi32, #tpu.memory_space<hbm>>
        tpu.enqueue_dma source(%dma_start3A_346 : memref<2x128xi32, #tpu.memory_space<hbm>>) target(%dma_start3A_344 : memref<2x128xi32, #tpu.memory_space<vmem>>) target_semaphore(%arg10 : memref<!tpu.dma_semaphore, #tpu.memory_space<semaphore_mem>>)
      }
      %scan3A_328 = arith.constant 80 : i32
    } else {
    }
    %eq3A_3 = arith.constant 1 : i32
    %eq3A_4 = arith.cmpi eq, %arg0, %eq3A_3 : i32
    %convert_element_type3A_5 = arith.extui %eq3A_4 : i1 to i32
    %cond3A_6 = arith.constant 0 : i32
    %cond3A_7 = arith.cmpi ne, %convert_element_type3A_5, %cond3A_6 : i32
    scf.if %cond3A_7 {
      %scan3A_323 = arith.constant 0 : i32
      %scan3A_324 = arith.constant 0 : i32
      %scan3A_325 = arith.constant 80 : i32
      %scan3A_326 = arith.addi %scan3A_324, %scan3A_325 : i32
      %scan3A_327 = arith.constant 1 : i32
      scf.for %scan3A_329 = %scan3A_324 to %scan3A_326 step %scan3A_327  : i32 {
        %mul3A_330 = arith.constant 1 : i32
        %mul3A_331 = arith.muli %scan3A_329, %mul3A_330 : i32
        %add3A = arith.constant 0 : i32
        %add3A_332 = arith.addi %mul3A_331, %add3A : i32
        %mul3A_333 = arith.constant 128 : i32
        %mul3A_334 = arith.muli %add3A_332, %mul3A_333 : i32
        %add3A_335 = arith.addi %multiple_of3A, %mul3A_334 : i32
        %dma_start3A = arith.constant 0 : i32
        %dma_start3A_336 = arith.constant 0 : i32
        %dma_start3A_337 = tpu.memref_slice %arg5[%add3A_332, %dma_start3A, %dma_start3A_336] : memref<80x2x128xi32, #tpu.memory_space<vmem>> -> memref<1x2x128xi32, #tpu.memory_space<vmem>>
        %dma_start3A_338 = tpu.memref_squeeze %dma_start3A_337 : memref<1x2x128xi32, #tpu.memory_space<vmem>> -> memref<2x128xi32, #tpu.memory_space<vmem>>
        %dma_start3A_339 = arith.constant 0 : i32
        %dma_start3A_340 = tpu.memref_slice %arg3[%dma_start3A_339, %add3A_335] : memref<2x160000xi32, #tpu.memory_space<hbm>> -> memref<2x128xi32, #tpu.memory_space<hbm>>
        %dma_start3A_341 = arith.constant 0 : i32
        %dma_start3A_342 = arith.constant 0 : i32
        %dma_start3A_343 = tpu.memref_slice %arg5[%add3A_332, %dma_start3A_341, %dma_start3A_342] : memref<80x2x128xi32, #tpu.memory_space<vmem>> -> memref<1x2x128xi32, #tpu.memory_space<vmem>>
        %dma_start3A_344 = tpu.memref_squeeze %dma_start3A_343 : memref<1x2x128xi32, #tpu.memory_space<vmem>> -> memref<2x128xi32, #tpu.memory_space<vmem>>
        %dma_start3A_345 = arith.constant 0 : i32
        %dma_start3A_346 = tpu.memref_slice %arg3[%dma_start3A_345, %add3A_335] : memref<2x160000xi32, #tpu.memory_space<hbm>> -> memref<2x128xi32, #tpu.memory_space<hbm>>
        tpu.enqueue_dma source(%dma_start3A_346 : memref<2x128xi32, #tpu.memory_space<hbm>>) target(%dma_start3A_344 : memref<2x128xi32, #tpu.memory_space<vmem>>) target_semaphore(%arg10 : memref<!tpu.dma_semaphore, #tpu.memory_space<semaphore_mem>>)
      }
      %scan3A_328 = arith.constant 80 : i32
    } else {
    }
    %broadcast_in_dim3A = arith.constant 1.000000e+00 : f32
    %broadcast_in_dim3A_8 = vector.broadcast %broadcast_in_dim3A : f32 to vector<16xf32>
    %swap3A = arith.constant 0 : index
    %swap3A_9 = tpu.vector_load %arg6[%swap3A] {strides = array<i32>} : memref<128xf32, #tpu.memory_space<vmem>>, vector<16xf32>,
    %swap3A_10 = vector.shape_cast %swap3A_9 : vector<16xf32> to vector<16xf32>
    %swap3A_11 = vector.shape_cast %broadcast_in_dim3A_8 : vector<16xf32> to vector<16xf32>
    tpu.vector_store %arg6[%swap3A], %swap3A_11 {strides = array<i32>} : memref<128xf32, #tpu.memory_space<vmem>>, vector<16xf32>,
    %broadcast_in_dim3A_12 = arith.constant 1.000000e+00 : f32
    %broadcast_in_dim3A_13 = vector.broadcast %broadcast_in_dim3A_12 : f32 to vector<16xf32>
    %swap3A_14 = arith.constant 16 : index
    %swap3A_15 = tpu.vector_load %arg6[%swap3A_14] {strides = array<i32>} : memref<128xf32, #tpu.memory_space<vmem>>, vector<16xf32>,
    %swap3A_16 = vector.shape_cast %swap3A_15 : vector<16xf32> to vector<16xf32>
    %swap3A_17 = vector.shape_cast %broadcast_in_dim3A_13 : vector<16xf32> to vector<16xf32>
    tpu.vector_store %arg6[%swap3A_14], %swap3A_17 {strides = array<i32>} : memref<128xf32, #tpu.memory_space<vmem>>, vector<16xf32>,
    %broadcast_in_dim3A_18 = arith.constant 1.000000e+00 : f32
    %broadcast_in_dim3A_19 = vector.broadcast %broadcast_in_dim3A_18 : f32 to vector<16xf32>
    %swap3A_20 = arith.constant 32 : index
    %swap3A_21 = tpu.vector_load %arg6[%swap3A_20] {strides = array<i32>} : memref<128xf32, #tpu.memory_space<vmem>>, vector<16xf32>,
    %swap3A_22 = vector.shape_cast %swap3A_21 : vector<16xf32> to vector<16xf32>
    %swap3A_23 = vector.shape_cast %broadcast_in_dim3A_19 : vector<16xf32> to vector<16xf32>
    tpu.vector_store %arg6[%swap3A_20], %swap3A_23 {strides = array<i32>} : memref<128xf32, #tpu.memory_space<vmem>>, vector<16xf32>,
    %broadcast_in_dim3A_24 = arith.constant 1.000000e+00 : f32
    %broadcast_in_dim3A_25 = vector.broadcast %broadcast_in_dim3A_24 : f32 to vector<16xf32>
    %swap3A_26 = arith.constant 48 : index
    %swap3A_27 = tpu.vector_load %arg6[%swap3A_26] {strides = array<i32>} : memref<128xf32, #tpu.memory_space<vmem>>, vector<16xf32>,
    %swap3A_28 = vector.shape_cast %swap3A_27 : vector<16xf32> to vector<16xf32>
    %swap3A_29 = vector.shape_cast %broadcast_in_dim3A_25 : vector<16xf32> to vector<16xf32>
    tpu.vector_store %arg6[%swap3A_26], %swap3A_29 {strides = array<i32>} : memref<128xf32, #tpu.memory_space<vmem>>, vector<16xf32>,
    %broadcast_in_dim3A_30 = arith.constant 1.000000e+00 : f32
    %broadcast_in_dim3A_31 = vector.broadcast %broadcast_in_dim3A_30 : f32 to vector<16xf32>
    %swap3A_32 = arith.constant 64 : index
    %swap3A_33 = tpu.vector_load %arg6[%swap3A_32] {strides = array<i32>} : memref<128xf32, #tpu.memory_space<vmem>>, vector<16xf32>,
    %swap3A_34 = vector.shape_cast %swap3A_33 : vector<16xf32> to vector<16xf32>
    %swap3A_35 = vector.shape_cast %broadcast_in_dim3A_31 : vector<16xf32> to vector<16xf32>
    tpu.vector_store %arg6[%swap3A_32], %swap3A_35 {strides = array<i32>} : memref<128xf32, #tpu.memory_space<vmem>>, vector<16xf32>,
    %broadcast_in_dim3A_36 = arith.constant 1.000000e+00 : f32
    %broadcast_in_dim3A_37 = vector.broadcast %broadcast_in_dim3A_36 : f32 to vector<16xf32>
    %swap3A_38 = arith.constant 80 : index
    %swap3A_39 = tpu.vector_load %arg6[%swap3A_38] {strides = array<i32>} : memref<128xf32, #tpu.memory_space<vmem>>, vector<16xf32>,
    %swap3A_40 = vector.shape_cast %swap3A_39 : vector<16xf32> to vector<16xf32>
    %swap3A_41 = vector.shape_cast %broadcast_in_dim3A_37 : vector<16xf32> to vector<16xf32>
    tpu.vector_store %arg6[%swap3A_38], %swap3A_41 {strides = array<i32>} : memref<128xf32, #tpu.memory_space<vmem>>, vector<16xf32>,
    %broadcast_in_dim3A_42 = arith.constant 1.000000e+00 : f32
    %broadcast_in_dim3A_43 = vector.broadcast %broadcast_in_dim3A_42 : f32 to vector<16xf32>
    %swap3A_44 = arith.constant 96 : index
    %swap3A_45 = tpu.vector_load %arg6[%swap3A_44] {strides = array<i32>} : memref<128xf32, #tpu.memory_space<vmem>>, vector<16xf32>,
    %swap3A_46 = vector.shape_cast %swap3A_45 : vector<16xf32> to vector<16xf32>
    %swap3A_47 = vector.shape_cast %broadcast_in_dim3A_43 : vector<16xf32> to vector<16xf32>
    tpu.vector_store %arg6[%swap3A_44], %swap3A_47 {strides = array<i32>} : memref<128xf32, #tpu.memory_space<vmem>>, vector<16xf32>,
    %broadcast_in_dim3A_48 = arith.constant 1.000000e+00 : f32
    %broadcast_in_dim3A_49 = vector.broadcast %broadcast_in_dim3A_48 : f32 to vector<16xf32>
    %swap3A_50 = arith.constant 112 : index
    %swap3A_51 = tpu.vector_load %arg6[%swap3A_50] {strides = array<i32>} : memref<128xf32, #tpu.memory_space<vmem>>, vector<16xf32>,
    %swap3A_52 = vector.shape_cast %swap3A_51 : vector<16xf32> to vector<16xf32>
    %swap3A_53 = vector.shape_cast %broadcast_in_dim3A_49 : vector<16xf32> to vector<16xf32>
    tpu.vector_store %arg6[%swap3A_50], %swap3A_53 {strides = array<i32>} : memref<128xf32, #tpu.memory_space<vmem>>, vector<16xf32>,
    %broadcast_in_dim3A_54 = arith.constant 0.000000e+00 : f32
    %broadcast_in_dim3A_55 = vector.broadcast %broadcast_in_dim3A_54 : f32 to vector<16xf32>
    %swap3A_56 = arith.constant 0 : index
    %swap3A_57 = tpu.vector_load %arg7[%swap3A_56] {strides = array<i32>} : memref<640xf32, #tpu.memory_space<vmem>>, vector<16xf32>,
    %swap3A_58 = vector.shape_cast %swap3A_57 : vector<16xf32> to vector<16xf32>
    %swap3A_59 = vector.shape_cast %broadcast_in_dim3A_55 : vector<16xf32> to vector<16xf32>
    tpu.vector_store %arg7[%swap3A_56], %swap3A_59 {strides = array<i32>} : memref<640xf32, #tpu.memory_space<vmem>>, vector<16xf32>,
    %broadcast_in_dim3A_60 = arith.constant 0.000000e+00 : f32
    %broadcast_in_dim3A_61 = vector.broadcast %broadcast_in_dim3A_60 : f32 to vector<16xf32>
    %swap3A_62 = arith.constant 16 : index
    %swap3A_63 = tpu.vector_load %arg7[%swap3A_62] {strides = array<i32>} : memref<640xf32, #tpu.memory_space<vmem>>, vector<16xf32>,
    %swap3A_64 = vector.shape_cast %swap3A_63 : vector<16xf32> to vector<16xf32>
    %swap3A_65 = vector.shape_cast %broadcast_in_dim3A_61 : vector<16xf32> to vector<16xf32>
    tpu.vector_store %arg7[%swap3A_62], %swap3A_65 {strides = array<i32>} : memref<640xf32, #tpu.memory_space<vmem>>, vector<16xf32>,
    %broadcast_in_dim3A_66 = arith.constant 0.000000e+00 : f32
    %broadcast_in_dim3A_67 = vector.broadcast %broadcast_in_dim3A_66 : f32 to vector<16xf32>
    %swap3A_68 = arith.constant 32 : index
    %swap3A_69 = tpu.vector_load %arg7[%swap3A_68] {strides = array<i32>} : memref<640xf32, #tpu.memory_space<vmem>>, vector<16xf32>,
    %swap3A_70 = vector.shape_cast %swap3A_69 : vector<16xf32> to vector<16xf32>
    %swap3A_71 = vector.shape_cast %broadcast_in_dim3A_67 : vector<16xf32> to vector<16xf32>
    tpu.vector_store %arg7[%swap3A_68], %swap3A_71 {strides = array<i32>} : memref<640xf32, #tpu.memory_space<vmem>>, vector<16xf32>,
    %broadcast_in_dim3A_72 = arith.constant 0.000000e+00 : f32
    %broadcast_in_dim3A_73 = vector.broadcast %broadcast_in_dim3A_72 : f32 to vector<16xf32>
    %swap3A_74 = arith.constant 48 : index
    %swap3A_75 = tpu.vector_load %arg7[%swap3A_74] {strides = array<i32>} : memref<640xf32, #tpu.memory_space<vmem>>, vector<16xf32>,
    %swap3A_76 = vector.shape_cast %swap3A_75 : vector<16xf32> to vector<16xf32>
    %swap3A_77 = vector.shape_cast %broadcast_in_dim3A_73 : vector<16xf32> to vector<16xf32>
    tpu.vector_store %arg7[%swap3A_74], %swap3A_77 {strides = array<i32>} : memref<640xf32, #tpu.memory_space<vmem>>, vector<16xf32>,
    %broadcast_in_dim3A_78 = arith.constant 0.000000e+00 : f32
    %broadcast_in_dim3A_79 = vector.broadcast %broadcast_in_dim3A_78 : f32 to vector<16xf32>
    %swap3A_80 = arith.constant 64 : index
    %swap3A_81 = tpu.vector_load %arg7[%swap3A_80] {strides = array<i32>} : memref<640xf32, #tpu.memory_space<vmem>>, vector<16xf32>,
    %swap3A_82 = vector.shape_cast %swap3A_81 : vector<16xf32> to vector<16xf32>
    %swap3A_83 = vector.shape_cast %broadcast_in_dim3A_79 : vector<16xf32> to vector<16xf32>
    tpu.vector_store %arg7[%swap3A_80], %swap3A_83 {strides = array<i32>} : memref<640xf32, #tpu.memory_space<vmem>>, vector<16xf32>,
    %broadcast_in_dim3A_84 = arith.constant 0.000000e+00 : f32
    %broadcast_in_dim3A_85 = vector.broadcast %broadcast_in_dim3A_84 : f32 to vector<16xf32>
    %swap3A_86 = arith.constant 80 : index
    %swap3A_87 = tpu.vector_load %arg7[%swap3A_86] {strides = array<i32>} : memref<640xf32, #tpu.memory_space<vmem>>, vector<16xf32>,
    %swap3A_88 = vector.shape_cast %swap3A_87 : vector<16xf32> to vector<16xf32>
    %swap3A_89 = vector.shape_cast %broadcast_in_dim3A_85 : vector<16xf32> to vector<16xf32>
    tpu.vector_store %arg7[%swap3A_86], %swap3A_89 {strides = array<i32>} : memref<640xf32, #tpu.memory_space<vmem>>, vector<16xf32>,
    %broadcast_in_dim3A_90 = arith.constant 0.000000e+00 : f32
    %broadcast_in_dim3A_91 = vector.broadcast %broadcast_in_dim3A_90 : f32 to vector<16xf32>
    %swap3A_92 = arith.constant 96 : index
    %swap3A_93 = tpu.vector_load %arg7[%swap3A_92] {strides = array<i32>} : memref<640xf32, #tpu.memory_space<vmem>>, vector<16xf32>,
    %swap3A_94 = vector.shape_cast %swap3A_93 : vector<16xf32> to vector<16xf32>
    %swap3A_95 = vector.shape_cast %broadcast_in_dim3A_91 : vector<16xf32> to vector<16xf32>
    tpu.vector_store %arg7[%swap3A_92], %swap3A_95 {strides = array<i32>} : memref<640xf32, #tpu.memory_space<vmem>>, vector<16xf32>,
    %broadcast_in_dim3A_96 = arith.constant 0.000000e+00 : f32
    %broadcast_in_dim3A_97 = vector.broadcast %broadcast_in_dim3A_96 : f32 to vector<16xf32>
    %swap3A_98 = arith.constant 112 : index
    %swap3A_99 = tpu.vector_load %arg7[%swap3A_98] {strides = array<i32>} : memref<640xf32, #tpu.memory_space<vmem>>, vector<16xf32>,
    %swap3A_100 = vector.shape_cast %swap3A_99 : vector<16xf32> to vector<16xf32>
    %swap3A_101 = vector.shape_cast %broadcast_in_dim3A_97 : vector<16xf32> to vector<16xf32>
    tpu.vector_store %arg7[%swap3A_98], %swap3A_101 {strides = array<i32>} : memref<640xf32, #tpu.memory_space<vmem>>, vector<16xf32>,
    %broadcast_in_dim3A_102 = arith.constant 0.000000e+00 : f32
    %broadcast_in_dim3A_103 = vector.broadcast %broadcast_in_dim3A_102 : f32 to vector<16xf32>
    %swap3A_104 = arith.constant 128 : index
    %swap3A_105 = tpu.vector_load %arg7[%swap3A_104] {strides = array<i32>} : memref<640xf32, #tpu.memory_space<vmem>>, vector<16xf32>,
    %swap3A_106 = vector.shape_cast %swap3A_105 : vector<16xf32> to vector<16xf32>
    %swap3A_107 = vector.shape_cast %broadcast_in_dim3A_103 : vector<16xf32> to vector<16xf32>
    tpu.vector_store %arg7[%swap3A_104], %swap3A_107 {strides = array<i32>} : memref<640xf32, #tpu.memory_space<vmem>>, vector<16xf32>,
    %broadcast_in_dim3A_108 = arith.constant 0.000000e+00 : f32
    %broadcast_in_dim3A_109 = vector.broadcast %broadcast_in_dim3A_108 : f32 to vector<16xf32>
    %swap3A_110 = arith.constant 144 : index
    %swap3A_111 = tpu.vector_load %arg7[%swap3A_110] {strides = array<i32>} : memref<640xf32, #tpu.memory_space<vmem>>, vector<16xf32>,
    %swap3A_112 = vector.shape_cast %swap3A_111 : vector<16xf32> to vector<16xf32>
    %swap3A_113 = vector.shape_cast %broadcast_in_dim3A_109 : vector<16xf32> to vector<16xf32>
    tpu.vector_store %arg7[%swap3A_110], %swap3A_113 {strides = array<i32>} : memref<640xf32, #tpu.memory_space<vmem>>, vector<16xf32>,
    %broadcast_in_dim3A_114 = arith.constant 0.000000e+00 : f32
    %broadcast_in_dim3A_115 = vector.broadcast %broadcast_in_dim3A_114 : f32 to vector<16xf32>
    %swap3A_116 = arith.constant 160 : index
    %swap3A_117 = tpu.vector_load %arg7[%swap3A_116] {strides = array<i32>} : memref<640xf32, #tpu.memory_space<vmem>>, vector<16xf32>,
    %swap3A_118 = vector.shape_cast %swap3A_117 : vector<16xf32> to vector<16xf32>
    %swap3A_119 = vector.shape_cast %broadcast_in_dim3A_115 : vector<16xf32> to vector<16xf32>
    tpu.vector_store %arg7[%swap3A_116], %swap3A_119 {strides = array<i32>} : memref<640xf32, #tpu.memory_space<vmem>>, vector<16xf32>,
    %broadcast_in_dim3A_120 = arith.constant 0.000000e+00 : f32
    %broadcast_in_dim3A_121 = vector.broadcast %broadcast_in_dim3A_120 : f32 to vector<16xf32>
    %swap3A_122 = arith.constant 176 : index
    %swap3A_123 = tpu.vector_load %arg7[%swap3A_122] {strides = array<i32>} : memref<640xf32, #tpu.memory_space<vmem>>, vector<16xf32>,
    %swap3A_124 = vector.shape_cast %swap3A_123 : vector<16xf32> to vector<16xf32>
    %swap3A_125 = vector.shape_cast %broadcast_in_dim3A_121 : vector<16xf32> to vector<16xf32>
    tpu.vector_store %arg7[%swap3A_122], %swap3A_125 {strides = array<i32>} : memref<640xf32, #tpu.memory_space<vmem>>, vector<16xf32>,
    %broadcast_in_dim3A_126 = arith.constant 0.000000e+00 : f32
    %broadcast_in_dim3A_127 = vector.broadcast %broadcast_in_dim3A_126 : f32 to vector<16xf32>
    %swap3A_128 = arith.constant 192 : index
    %swap3A_129 = tpu.vector_load %arg7[%swap3A_128] {strides = array<i32>} : memref<640xf32, #tpu.memory_space<vmem>>, vector<16xf32>,
    %swap3A_130 = vector.shape_cast %swap3A_129 : vector<16xf32> to vector<16xf32>
    %swap3A_131 = vector.shape_cast %broadcast_in_dim3A_127 : vector<16xf32> to vector<16xf32>
    tpu.vector_store %arg7[%swap3A_128], %swap3A_131 {strides = array<i32>} : memref<640xf32, #tpu.memory_space<vmem>>, vector<16xf32>,
    %broadcast_in_dim3A_132 = arith.constant 0.000000e+00 : f32
    %broadcast_in_dim3A_133 = vector.broadcast %broadcast_in_dim3A_132 : f32 to vector<16xf32>
    %swap3A_134 = arith.constant 208 : index
    %swap3A_135 = tpu.vector_load %arg7[%swap3A_134] {strides = array<i32>} : memref<640xf32, #tpu.memory_space<vmem>>, vector<16xf32>,
    %swap3A_136 = vector.shape_cast %swap3A_135 : vector<16xf32> to vector<16xf32>
    %swap3A_137 = vector.shape_cast %broadcast_in_dim3A_133 : vector<16xf32> to vector<16xf32>
    tpu.vector_store %arg7[%swap3A_134], %swap3A_137 {strides = array<i32>} : memref<640xf32, #tpu.memory_space<vmem>>, vector<16xf32>,
    %broadcast_in_dim3A_138 = arith.constant 0.000000e+00 : f32
    %broadcast_in_dim3A_139 = vector.broadcast %broadcast_in_dim3A_138 : f32 to vector<16xf32>
    %swap3A_140 = arith.constant 224 : index
    %swap3A_141 = tpu.vector_load %arg7[%swap3A_140] {strides = array<i32>} : memref<640xf32, #tpu.memory_space<vmem>>, vector<16xf32>,
    %swap3A_142 = vector.shape_cast %swap3A_141 : vector<16xf32> to vector<16xf32>
    %swap3A_143 = vector.shape_cast %broadcast_in_dim3A_139 : vector<16xf32> to vector<16xf32>
    tpu.vector_store %arg7[%swap3A_140], %swap3A_143 {strides = array<i32>} : memref<640xf32, #tpu.memory_space<vmem>>, vector<16xf32>,
    %broadcast_in_dim3A_144 = arith.constant 0.000000e+00 : f32
    %broadcast_in_dim3A_145 = vector.broadcast %broadcast_in_dim3A_144 : f32 to vector<16xf32>
    %swap3A_146 = arith.constant 240 : index
    %swap3A_147 = tpu.vector_load %arg7[%swap3A_146] {strides = array<i32>} : memref<640xf32, #tpu.memory_space<vmem>>, vector<16xf32>,
    %swap3A_148 = vector.shape_cast %swap3A_147 : vector<16xf32> to vector<16xf32>
    %swap3A_149 = vector.shape_cast %broadcast_in_dim3A_145 : vector<16xf32> to vector<16xf32>
    tpu.vector_store %arg7[%swap3A_146], %swap3A_149 {strides = array<i32>} : memref<640xf32, #tpu.memory_space<vmem>>, vector<16xf32>,
    %broadcast_in_dim3A_150 = arith.constant 0.000000e+00 : f32
    %broadcast_in_dim3A_151 = vector.broadcast %broadcast_in_dim3A_150 : f32 to vector<16xf32>
    %swap3A_152 = arith.constant 256 : index
    %swap3A_153 = tpu.vector_load %arg7[%swap3A_152] {strides = array<i32>} : memref<640xf32, #tpu.memory_space<vmem>>, vector<16xf32>,
    %swap3A_154 = vector.shape_cast %swap3A_153 : vector<16xf32> to vector<16xf32>
    %swap3A_155 = vector.shape_cast %broadcast_in_dim3A_151 : vector<16xf32> to vector<16xf32>
    tpu.vector_store %arg7[%swap3A_152], %swap3A_155 {strides = array<i32>} : memref<640xf32, #tpu.memory_space<vmem>>, vector<16xf32>,
    %broadcast_in_dim3A_156 = arith.constant 0.000000e+00 : f32
    %broadcast_in_dim3A_157 = vector.broadcast %broadcast_in_dim3A_156 : f32 to vector<16xf32>
    %swap3A_158 = arith.constant 272 : index
    %swap3A_159 = tpu.vector_load %arg7[%swap3A_158] {strides = array<i32>} : memref<640xf32, #tpu.memory_space<vmem>>, vector<16xf32>,
    %swap3A_160 = vector.shape_cast %swap3A_159 : vector<16xf32> to vector<16xf32>
    %swap3A_161 = vector.shape_cast %broadcast_in_dim3A_157 : vector<16xf32> to vector<16xf32>
    tpu.vector_store %arg7[%swap3A_158], %swap3A_161 {strides = array<i32>} : memref<640xf32, #tpu.memory_space<vmem>>, vector<16xf32>,
    %broadcast_in_dim3A_162 = arith.constant 0.000000e+00 : f32
    %broadcast_in_dim3A_163 = vector.broadcast %broadcast_in_dim3A_162 : f32 to vector<16xf32>
    %swap3A_164 = arith.constant 288 : index
    %swap3A_165 = tpu.vector_load %arg7[%swap3A_164] {strides = array<i32>} : memref<640xf32, #tpu.memory_space<vmem>>, vector<16xf32>,
    %swap3A_166 = vector.shape_cast %swap3A_165 : vector<16xf32> to vector<16xf32>
    %swap3A_167 = vector.shape_cast %broadcast_in_dim3A_163 : vector<16xf32> to vector<16xf32>
    tpu.vector_store %arg7[%swap3A_164], %swap3A_167 {strides = array<i32>} : memref<640xf32, #tpu.memory_space<vmem>>, vector<16xf32>,
    %broadcast_in_dim3A_168 = arith.constant 0.000000e+00 : f32
    %broadcast_in_dim3A_169 = vector.broadcast %broadcast_in_dim3A_168 : f32 to vector<16xf32>
    %swap3A_170 = arith.constant 304 : index
    %swap3A_171 = tpu.vector_load %arg7[%swap3A_170] {strides = array<i32>} : memref<640xf32, #tpu.memory_space<vmem>>, vector<16xf32>,
    %swap3A_172 = vector.shape_cast %swap3A_171 : vector<16xf32> to vector<16xf32>
    %swap3A_173 = vector.shape_cast %broadcast_in_dim3A_169 : vector<16xf32> to vector<16xf32>
    tpu.vector_store %arg7[%swap3A_170], %swap3A_173 {strides = array<i32>} : memref<640xf32, #tpu.memory_space<vmem>>, vector<16xf32>,
    %broadcast_in_dim3A_174 = arith.constant 0.000000e+00 : f32
    %broadcast_in_dim3A_175 = vector.broadcast %broadcast_in_dim3A_174 : f32 to vector<16xf32>
    %swap3A_176 = arith.constant 320 : index
    %swap3A_177 = tpu.vector_load %arg7[%swap3A_176] {strides = array<i32>} : memref<640xf32, #tpu.memory_space<vmem>>, vector<16xf32>,
    %swap3A_178 = vector.shape_cast %swap3A_177 : vector<16xf32> to vector<16xf32>
    %swap3A_179 = vector.shape_cast %broadcast_in_dim3A_175 : vector<16xf32> to vector<16xf32>
    tpu.vector_store %arg7[%swap3A_176], %swap3A_179 {strides = array<i32>} : memref<640xf32, #tpu.memory_space<vmem>>, vector<16xf32>,
    %broadcast_in_dim3A_180 = arith.constant 0.000000e+00 : f32
    %broadcast_in_dim3A_181 = vector.broadcast %broadcast_in_dim3A_180 : f32 to vector<16xf32>
    %swap3A_182 = arith.constant 336 : index
    %swap3A_183 = tpu.vector_load %arg7[%swap3A_182] {strides = array<i32>} : memref<640xf32, #tpu.memory_space<vmem>>, vector<16xf32>,
    %swap3A_184 = vector.shape_cast %swap3A_183 : vector<16xf32> to vector<16xf32>
    %swap3A_185 = vector.shape_cast %broadcast_in_dim3A_181 : vector<16xf32> to vector<16xf32>
    tpu.vector_store %arg7[%swap3A_182], %swap3A_185 {strides = array<i32>} : memref<640xf32, #tpu.memory_space<vmem>>, vector<16xf32>,
    %broadcast_in_dim3A_186 = arith.constant 0.000000e+00 : f32
    %broadcast_in_dim3A_187 = vector.broadcast %broadcast_in_dim3A_186 : f32 to vector<16xf32>
    %swap3A_188 = arith.constant 352 : index
    %swap3A_189 = tpu.vector_load %arg7[%swap3A_188] {strides = array<i32>} : memref<640xf32, #tpu.memory_space<vmem>>, vector<16xf32>,
    %swap3A_190 = vector.shape_cast %swap3A_189 : vector<16xf32> to vector<16xf32>
    %swap3A_191 = vector.shape_cast %broadcast_in_dim3A_187 : vector<16xf32> to vector<16xf32>
    tpu.vector_store %arg7[%swap3A_188], %swap3A_191 {strides = array<i32>} : memref<640xf32, #tpu.memory_space<vmem>>, vector<16xf32>,
    %broadcast_in_dim3A_192 = arith.constant 0.000000e+00 : f32
    %broadcast_in_dim3A_193 = vector.broadcast %broadcast_in_dim3A_192 : f32 to vector<16xf32>
    %swap3A_194 = arith.constant 368 : index
    %swap3A_195 = tpu.vector_load %arg7[%swap3A_194] {strides = array<i32>} : memref<640xf32, #tpu.memory_space<vmem>>, vector<16xf32>,
    %swap3A_196 = vector.shape_cast %swap3A_195 : vector<16xf32> to vector<16xf32>
    %swap3A_197 = vector.shape_cast %broadcast_in_dim3A_193 : vector<16xf32> to vector<16xf32>
    tpu.vector_store %arg7[%swap3A_194], %swap3A_197 {strides = array<i32>} : memref<640xf32, #tpu.memory_space<vmem>>, vector<16xf32>,
    %broadcast_in_dim3A_198 = arith.constant 0.000000e+00 : f32
    %broadcast_in_dim3A_199 = vector.broadcast %broadcast_in_dim3A_198 : f32 to vector<16xf32>
    %swap3A_200 = arith.constant 384 : index
    %swap3A_201 = tpu.vector_load %arg7[%swap3A_200] {strides = array<i32>} : memref<640xf32, #tpu.memory_space<vmem>>, vector<16xf32>,
    %swap3A_202 = vector.shape_cast %swap3A_201 : vector<16xf32> to vector<16xf32>
    %swap3A_203 = vector.shape_cast %broadcast_in_dim3A_199 : vector<16xf32> to vector<16xf32>
    tpu.vector_store %arg7[%swap3A_200], %swap3A_203 {strides = array<i32>} : memref<640xf32, #tpu.memory_space<vmem>>, vector<16xf32>,
    %broadcast_in_dim3A_204 = arith.constant 0.000000e+00 : f32
    %broadcast_in_dim3A_205 = vector.broadcast %broadcast_in_dim3A_204 : f32 to vector<16xf32>
    %swap3A_206 = arith.constant 400 : index
    %swap3A_207 = tpu.vector_load %arg7[%swap3A_206] {strides = array<i32>} : memref<640xf32, #tpu.memory_space<vmem>>, vector<16xf32>,
    %swap3A_208 = vector.shape_cast %swap3A_207 : vector<16xf32> to vector<16xf32>
    %swap3A_209 = vector.shape_cast %broadcast_in_dim3A_205 : vector<16xf32> to vector<16xf32>
    tpu.vector_store %arg7[%swap3A_206], %swap3A_209 {strides = array<i32>} : memref<640xf32, #tpu.memory_space<vmem>>, vector<16xf32>,
    %broadcast_in_dim3A_210 = arith.constant 0.000000e+00 : f32
    %broadcast_in_dim3A_211 = vector.broadcast %broadcast_in_dim3A_210 : f32 to vector<16xf32>
    %swap3A_212 = arith.constant 416 : index
    %swap3A_213 = tpu.vector_load %arg7[%swap3A_212] {strides = array<i32>} : memref<640xf32, #tpu.memory_space<vmem>>, vector<16xf32>,
    %swap3A_214 = vector.shape_cast %swap3A_213 : vector<16xf32> to vector<16xf32>
    %swap3A_215 = vector.shape_cast %broadcast_in_dim3A_211 : vector<16xf32> to vector<16xf32>
    tpu.vector_store %arg7[%swap3A_212], %swap3A_215 {strides = array<i32>} : memref<640xf32, #tpu.memory_space<vmem>>, vector<16xf32>,
    %broadcast_in_dim3A_216 = arith.constant 0.000000e+00 : f32
    %broadcast_in_dim3A_217 = vector.broadcast %broadcast_in_dim3A_216 : f32 to vector<16xf32>
    %swap3A_218 = arith.constant 432 : index
    %swap3A_219 = tpu.vector_load %arg7[%swap3A_218] {strides = array<i32>} : memref<640xf32, #tpu.memory_space<vmem>>, vector<16xf32>,
    %swap3A_220 = vector.shape_cast %swap3A_219 : vector<16xf32> to vector<16xf32>
    %swap3A_221 = vector.shape_cast %broadcast_in_dim3A_217 : vector<16xf32> to vector<16xf32>
    tpu.vector_store %arg7[%swap3A_218], %swap3A_221 {strides = array<i32>} : memref<640xf32, #tpu.memory_space<vmem>>, vector<16xf32>,
    %broadcast_in_dim3A_222 = arith.constant 0.000000e+00 : f32
    %broadcast_in_dim3A_223 = vector.broadcast %broadcast_in_dim3A_222 : f32 to vector<16xf32>
    %swap3A_224 = arith.constant 448 : index
    %swap3A_225 = tpu.vector_load %arg7[%swap3A_224] {strides = array<i32>} : memref<640xf32, #tpu.memory_space<vmem>>, vector<16xf32>,
    %swap3A_226 = vector.shape_cast %swap3A_225 : vector<16xf32> to vector<16xf32>
    %swap3A_227 = vector.shape_cast %broadcast_in_dim3A_223 : vector<16xf32> to vector<16xf32>
    tpu.vector_store %arg7[%swap3A_224], %swap3A_227 {strides = array<i32>} : memref<640xf32, #tpu.memory_space<vmem>>, vector<16xf32>,
    %broadcast_in_dim3A_228 = arith.constant 0.000000e+00 : f32
    %broadcast_in_dim3A_229 = vector.broadcast %broadcast_in_dim3A_228 : f32 to vector<16xf32>
    %swap3A_230 = arith.constant 464 : index
    %swap3A_231 = tpu.vector_load %arg7[%swap3A_230] {strides = array<i32>} : memref<640xf32, #tpu.memory_space<vmem>>, vector<16xf32>,
    %swap3A_232 = vector.shape_cast %swap3A_231 : vector<16xf32> to vector<16xf32>
    %swap3A_233 = vector.shape_cast %broadcast_in_dim3A_229 : vector<16xf32> to vector<16xf32>
    tpu.vector_store %arg7[%swap3A_230], %swap3A_233 {strides = array<i32>} : memref<640xf32, #tpu.memory_space<vmem>>, vector<16xf32>,
    %broadcast_in_dim3A_234 = arith.constant 0.000000e+00 : f32
    %broadcast_in_dim3A_235 = vector.broadcast %broadcast_in_dim3A_234 : f32 to vector<16xf32>
    %swap3A_236 = arith.constant 480 : index
    %swap3A_237 = tpu.vector_load %arg7[%swap3A_236] {strides = array<i32>} : memref<640xf32, #tpu.memory_space<vmem>>, vector<16xf32>,
    %swap3A_238 = vector.shape_cast %swap3A_237 : vector<16xf32> to vector<16xf32>
    %swap3A_239 = vector.shape_cast %broadcast_in_dim3A_235 : vector<16xf32> to vector<16xf32>
    tpu.vector_store %arg7[%swap3A_236], %swap3A_239 {strides = array<i32>} : memref<640xf32, #tpu.memory_space<vmem>>, vector<16xf32>,
    %broadcast_in_dim3A_240 = arith.constant 0.000000e+00 : f32
    %broadcast_in_dim3A_241 = vector.broadcast %broadcast_in_dim3A_240 : f32 to vector<16xf32>
    %swap3A_242 = arith.constant 496 : index
    %swap3A_243 = tpu.vector_load %arg7[%swap3A_242] {strides = array<i32>} : memref<640xf32, #tpu.memory_space<vmem>>, vector<16xf32>,
    %swap3A_244 = vector.shape_cast %swap3A_243 : vector<16xf32> to vector<16xf32>
    %swap3A_245 = vector.shape_cast %broadcast_in_dim3A_241 : vector<16xf32> to vector<16xf32>
    tpu.vector_store %arg7[%swap3A_242], %swap3A_245 {strides = array<i32>} : memref<640xf32, #tpu.memory_space<vmem>>, vector<16xf32>,
    %broadcast_in_dim3A_246 = arith.constant 0.000000e+00 : f32
    %broadcast_in_dim3A_247 = vector.broadcast %broadcast_in_dim3A_246 : f32 to vector<16xf32>
    %swap3A_248 = arith.constant 512 : index
    %swap3A_249 = tpu.vector_load %arg7[%swap3A_248] {strides = array<i32>} : memref<640xf32, #tpu.memory_space<vmem>>, vector<16xf32>,
    %swap3A_250 = vector.shape_cast %swap3A_249 : vector<16xf32> to vector<16xf32>
    %swap3A_251 = vector.shape_cast %broadcast_in_dim3A_247 : vector<16xf32> to vector<16xf32>
    tpu.vector_store %arg7[%swap3A_248], %swap3A_251 {strides = array<i32>} : memref<640xf32, #tpu.memory_space<vmem>>, vector<16xf32>,
    %broadcast_in_dim3A_252 = arith.constant 0.000000e+00 : f32
    %broadcast_in_dim3A_253 = vector.broadcast %broadcast_in_dim3A_252 : f32 to vector<16xf32>
    %swap3A_254 = arith.constant 528 : index
    %swap3A_255 = tpu.vector_load %arg7[%swap3A_254] {strides = array<i32>} : memref<640xf32, #tpu.memory_space<vmem>>, vector<16xf32>,
    %swap3A_256 = vector.shape_cast %swap3A_255 : vector<16xf32> to vector<16xf32>
    %swap3A_257 = vector.shape_cast %broadcast_in_dim3A_253 : vector<16xf32> to vector<16xf32>
    tpu.vector_store %arg7[%swap3A_254], %swap3A_257 {strides = array<i32>} : memref<640xf32, #tpu.memory_space<vmem>>, vector<16xf32>,
    %broadcast_in_dim3A_258 = arith.constant 0.000000e+00 : f32
    %broadcast_in_dim3A_259 = vector.broadcast %broadcast_in_dim3A_258 : f32 to vector<16xf32>
    %swap3A_260 = arith.constant 544 : index
    %swap3A_261 = tpu.vector_load %arg7[%swap3A_260] {strides = array<i32>} : memref<640xf32, #tpu.memory_space<vmem>>, vector<16xf32>,
    %swap3A_262 = vector.shape_cast %swap3A_261 : vector<16xf32> to vector<16xf32>
    %swap3A_263 = vector.shape_cast %broadcast_in_dim3A_259 : vector<16xf32> to vector<16xf32>
    tpu.vector_store %arg7[%swap3A_260], %swap3A_263 {strides = array<i32>} : memref<640xf32, #tpu.memory_space<vmem>>, vector<16xf32>,
    %broadcast_in_dim3A_264 = arith.constant 0.000000e+00 : f32
    %broadcast_in_dim3A_265 = vector.broadcast %broadcast_in_dim3A_264 : f32 to vector<16xf32>
    %swap3A_266 = arith.constant 560 : index
    %swap3A_267 = tpu.vector_load %arg7[%swap3A_266] {strides = array<i32>} : memref<640xf32, #tpu.memory_space<vmem>>, vector<16xf32>,
    %swap3A_268 = vector.shape_cast %swap3A_267 : vector<16xf32> to vector<16xf32>
    %swap3A_269 = vector.shape_cast %broadcast_in_dim3A_265 : vector<16xf32> to vector<16xf32>
    tpu.vector_store %arg7[%swap3A_266], %swap3A_269 {strides = array<i32>} : memref<640xf32, #tpu.memory_space<vmem>>, vector<16xf32>,
    %broadcast_in_dim3A_270 = arith.constant 0.000000e+00 : f32
    %broadcast_in_dim3A_271 = vector.broadcast %broadcast_in_dim3A_270 : f32 to vector<16xf32>
    %swap3A_272 = arith.constant 576 : index
    %swap3A_273 = tpu.vector_load %arg7[%swap3A_272] {strides = array<i32>} : memref<640xf32, #tpu.memory_space<vmem>>, vector<16xf32>,
    %swap3A_274 = vector.shape_cast %swap3A_273 : vector<16xf32> to vector<16xf32>
    %swap3A_275 = vector.shape_cast %broadcast_in_dim3A_271 : vector<16xf32> to vector<16xf32>
    tpu.vector_store %arg7[%swap3A_272], %swap3A_275 {strides = array<i32>} : memref<640xf32, #tpu.memory_space<vmem>>, vector<16xf32>,
    %broadcast_in_dim3A_276 = arith.constant 0.000000e+00 : f32
    %broadcast_in_dim3A_277 = vector.broadcast %broadcast_in_dim3A_276 : f32 to vector<16xf32>
    %swap3A_278 = arith.constant 592 : index
    %swap3A_279 = tpu.vector_load %arg7[%swap3A_278] {strides = array<i32>} : memref<640xf32, #tpu.memory_space<vmem>>, vector<16xf32>,
    %swap3A_280 = vector.shape_cast %swap3A_279 : vector<16xf32> to vector<16xf32>
    %swap3A_281 = vector.shape_cast %broadcast_in_dim3A_277 : vector<16xf32> to vector<16xf32>
    tpu.vector_store %arg7[%swap3A_278], %swap3A_281 {strides = array<i32>} : memref<640xf32, #tpu.memory_space<vmem>>, vector<16xf32>,
    %broadcast_in_dim3A_282 = arith.constant 0.000000e+00 : f32
    %broadcast_in_dim3A_283 = vector.broadcast %broadcast_in_dim3A_282 : f32 to vector<16xf32>
    %swap3A_284 = arith.constant 608 : index
    %swap3A_285 = tpu.vector_load %arg7[%swap3A_284] {strides = array<i32>} : memref<640xf32, #tpu.memory_space<vmem>>, vector<16xf32>,
    %swap3A_286 = vector.shape_cast %swap3A_285 : vector<16xf32> to vector<16xf32>
    %swap3A_287 = vector.shape_cast %broadcast_in_dim3A_283 : vector<16xf32> to vector<16xf32>
    tpu.vector_store %arg7[%swap3A_284], %swap3A_287 {strides = array<i32>} : memref<640xf32, #tpu.memory_space<vmem>>, vector<16xf32>,
    %broadcast_in_dim3A_288 = arith.constant 0.000000e+00 : f32
    %broadcast_in_dim3A_289 = vector.broadcast %broadcast_in_dim3A_288 : f32 to vector<16xf32>
    %swap3A_290 = arith.constant 624 : index
    %swap3A_291 = tpu.vector_load %arg7[%swap3A_290] {strides = array<i32>} : memref<640xf32, #tpu.memory_space<vmem>>, vector<16xf32>,
    %swap3A_292 = vector.shape_cast %swap3A_291 : vector<16xf32> to vector<16xf32>
    %swap3A_293 = vector.shape_cast %broadcast_in_dim3A_289 : vector<16xf32> to vector<16xf32>
    tpu.vector_store %arg7[%swap3A_290], %swap3A_293 {strides = array<i32>} : memref<640xf32, #tpu.memory_space<vmem>>, vector<16xf32>,
    %mul3A_294 = arith.constant 640 : i32
    %mul3A_295 = arith.muli %arg1, %mul3A_294 : i32
    "tpu.region"() ({
      %run_scoped3A = tpu.sem_alloc : memref<!tpu.dma_semaphore, #tpu.memory_space<semaphore_mem>>
      %dma_start3A = tpu.memref_slice %arg9[%mul3A_295] : memref<10240xf32, #tpu.memory_space<vmem_shared>> -> memref<640xf32, #tpu.memory_space<vmem_shared>>
      %dma_start3A_323 = tpu.memref_slice %arg9[%mul3A_295] : memref<10240xf32, #tpu.memory_space<vmem_shared>> -> memref<640xf32, #tpu.memory_space<vmem_shared>>
      tpu.enqueue_dma source(%arg7 : memref<640xf32, #tpu.memory_space<vmem>>) target(%dma_start3A_323 : memref<640xf32, #tpu.memory_space<vmem_shared>>) target_semaphore(%run_scoped3A : memref<!tpu.dma_semaphore, #tpu.memory_space<semaphore_mem>>)
      %dma_wait3A_324 = tpu.memref_slice %arg9[%mul3A_295] : memref<10240xf32, #tpu.memory_space<vmem_shared>> -> memref<640xf32, #tpu.memory_space<vmem_shared>>
      %dma_wait3A_325 = tpu.memref_slice %arg9[%mul3A_295] : memref<10240xf32, #tpu.memory_space<vmem_shared>> -> memref<640xf32, #tpu.memory_space<vmem_shared>>
      tpu.wait_dma2 semaphore(%run_scoped3A : memref<!tpu.dma_semaphore, #tpu.memory_space<semaphore_mem>>) src(%arg7 : memref<640xf32, #tpu.memory_space<vmem>>) dst(%dma_wait3A_325 : memref<640xf32, #tpu.memory_space<vmem_shared>>)
      tpu.yield
    }) : () -> ()
    %dma_wait3A = arith.constant 0 : i32
    %dma_wait3A_296 = arith.constant 0 : i32
    %dma_wait3A_297 = tpu.memref_slice %arg2[%dma_wait3A, %dma_wait3A_296] : memref<2x160000xi32, #tpu.memory_space<hbm>> -> memref<2x10240xi32, #tpu.memory_space<hbm>>
    %dma_wait3A_298 = arith.constant 0 : i32
    %dma_wait3A_299 = arith.constant 0 : i32
    %dma_wait3A_300 = tpu.memref_slice %arg2[%dma_wait3A_298, %dma_wait3A_299] : memref<2x160000xi32, #tpu.memory_space<hbm>> -> memref<2x10240xi32, #tpu.memory_space<hbm>>
    tpu.wait_dma2 semaphore(%arg10 : memref<!tpu.dma_semaphore, #tpu.memory_space<semaphore_mem>>) src(%dma_wait3A_300 : memref<2x10240xi32, #tpu.memory_space<hbm>>) dst(%arg8 : memref<2x10240xi32, #tpu.memory_space<vmem>>)
    %barrier3A = arith.constant 0 : index
    tpu.barrier barrier_id(%barrier3A)
    %scan3A = arith.constant 0 : i32
    %scan3A_301 = arith.constant 0 : i32
    %scan3A_302 = arith.constant 80 : i32
    %scan3A_303 = arith.addi %scan3A_301, %scan3A_302 : i32
    %scan3A_304 = arith.constant 1 : i32
    scf.for %scan3A_323 = %scan3A_301 to %scan3A_303 step %scan3A_304  : i32 {
      %mul3A_324 = arith.constant 1 : i32
      %mul3A_325 = arith.muli %scan3A_323, %mul3A_324 : i32
      %add3A = arith.constant 0 : i32
      %add3A_326 = arith.addi %mul3A_325, %add3A : i32
      %dma_start3A = arith.constant 1 : i32
      %dma_start3A_327 = arith.constant 0 : i32
      %dma_start3A_328 = tpu.memref_slice %arg5[%add3A_326, %dma_start3A, %dma_start3A_327] : memref<80x2x128xi32, #tpu.memory_space<vmem>> -> memref<1x1x128xi32, #tpu.memory_space<vmem>>
      %dma_start3A_329 = tpu.memref_squeeze %dma_start3A_328 : memref<1x1x128xi32, #tpu.memory_space<vmem>> -> memref<128xi32, #tpu.memory_space<vmem>>
      %dma_start3A_330 = arith.constant 0 : i32
      %dma_start3A_331 = tpu.memref_slice %arg9[%dma_start3A_330] : memref<10240xf32, #tpu.memory_space<vmem_shared>> -> memref<10240xf32, #tpu.memory_space<vmem_shared>>
      tpu.enqueue_indirect_dma source(%arg6 : memref<128xf32, #tpu.memory_space<vmem>>) target(%dma_start3A_331 : memref<10240xf32, #tpu.memory_space<vmem_shared>>) offsets(%dma_start3A_329 : memref<128xi32, #tpu.memory_space<vmem>>) semaphore(%arg11 : memref<!tpu.dma_semaphore, #tpu.memory_space<semaphore_mem>>) {add = true}
    }
    %scan3A_305 = arith.constant 80 : i32
    %dma_wait3A_306 = arith.constant 0 : i32
    %dma_wait3A_307 = arith.constant 0 : i32
    %dma_wait3A_308 = tpu.memref_slice %arg8[%dma_wait3A_306, %dma_wait3A_307] : memref<2x10240xi32, #tpu.memory_space<vmem>> -> memref<2x5120xi32, #tpu.memory_space<vmem>>
    %dma_wait3A_309 = arith.constant 0 : i32
    %dma_wait3A_310 = arith.constant 0 : i32
    %dma_wait3A_311 = tpu.memref_slice %arg2[%dma_wait3A_309, %dma_wait3A_310] : memref<2x160000xi32, #tpu.memory_space<hbm>> -> memref<2x5120xi32, #tpu.memory_space<hbm>>
    %dma_wait3A_312 = arith.constant 0 : i32
    %dma_wait3A_313 = arith.constant 0 : i32
    %dma_wait3A_314 = tpu.memref_slice %arg8[%dma_wait3A_312, %dma_wait3A_313] : memref<2x10240xi32, #tpu.memory_space<vmem>> -> memref<2x5120xi32, #tpu.memory_space<vmem>>
    %dma_wait3A_315 = arith.constant 0 : i32
    %dma_wait3A_316 = arith.constant 0 : i32
    %dma_wait3A_317 = tpu.memref_slice %arg2[%dma_wait3A_315, %dma_wait3A_316] : memref<2x160000xi32, #tpu.memory_space<hbm>> -> memref<2x5120xi32, #tpu.memory_space<hbm>>
    tpu.wait_dma2 semaphore(%arg11 : memref<!tpu.dma_semaphore, #tpu.memory_space<semaphore_mem>>) src(%dma_wait3A_317 : memref<2x5120xi32, #tpu.memory_space<hbm>>) dst(%dma_wait3A_314 : memref<2x5120xi32, #tpu.memory_space<vmem>>)
    %barrier3A_318 = arith.constant 0 : index
    tpu.barrier barrier_id(%barrier3A_318)
    %mul3A_319 = arith.constant 640 : i32
    %mul3A_320 = arith.muli %arg1, %mul3A_319 : i32
    %mul3A_321 = arith.constant 640 : i32
    %mul3A_322 = arith.muli %arg1, %mul3A_321 : i32
    "tpu.region"() ({
      %run_scoped3A = tpu.sem_alloc : memref<!tpu.dma_semaphore, #tpu.memory_space<semaphore_mem>>
      %dma_start3A = tpu.memref_slice %arg4[%arg0, %mul3A_322] : memref<2x10240xf32, #tpu.memory_space<hbm>> -> memref<1x640xf32, #tpu.memory_space<hbm>>
      %dma_start3A_323 = tpu.memref_squeeze %dma_start3A : memref<1x640xf32, #tpu.memory_space<hbm>> -> memref<640xf32, #tpu.memory_space<hbm>>
      %dma_start3A_324 = tpu.memref_slice %arg9[%mul3A_320] : memref<10240xf32, #tpu.memory_space<vmem_shared>> -> memref<640xf32, #tpu.memory_space<vmem_shared>>
      tpu.enqueue_dma source(%dma_start3A_324 : memref<640xf32, #tpu.memory_space<vmem_shared>>) target(%dma_start3A_323 : memref<640xf32, #tpu.memory_space<hbm>>) target_semaphore(%run_scoped3A : memref<!tpu.dma_semaphore, #tpu.memory_space<semaphore_mem>>)
      %dma_wait3A_325 = tpu.memref_slice %arg4[%arg0, %mul3A_322] : memref<2x10240xf32, #tpu.memory_space<hbm>> -> memref<1x640xf32, #tpu.memory_space<hbm>>
      %dma_wait3A_326 = tpu.memref_squeeze %dma_wait3A_325 : memref<1x640xf32, #tpu.memory_space<hbm>> -> memref<640xf32, #tpu.memory_space<hbm>>
      %dma_wait3A_327 = tpu.memref_slice %arg9[%mul3A_320] : memref<10240xf32, #tpu.memory_space<vmem_shared>> -> memref<640xf32, #tpu.memory_space<vmem_shared>>
      tpu.wait_dma2 semaphore(%run_scoped3A : memref<!tpu.dma_semaphore, #tpu.memory_space<semaphore_mem>>) src(%dma_wait3A_327 : memref<640xf32, #tpu.memory_space<vmem_shared>>) dst(%dma_wait3A_326 : memref<640xf32, #tpu.memory_space<hbm>>)
      tpu.yield
    }) : () -> ()
    return
  }
}

module attributes {stable_mosaic.version = 14 : i64} {
  func.func @_tc_body(%arg0: i32, %arg1: memref<5000x128xf32, #tpu.memory_space<vmem>>, %arg2: memref<2x10240xf32, #tpu.memory_space<vmem>>, %arg3: memref<128x128xf32, #tpu.memory_space<vmem>>, %arg4: memref<128x128xf32, #tpu.memory_space<vmem>>, %arg5: memref<384x128xf32, #tpu.memory_space<vmem>>, %arg6: memref<384x128xf32, #tpu.memory_space<vmem>>, %arg7: memref<1x384xf32, #tpu.memory_space<vmem>>, %arg8: memref<1x384xf32, #tpu.memory_space<vmem>>, %arg9: memref<5000x128xf32, #tpu.memory_space<vmem>>, %arg10: memref<10240x2xf32, #tpu.memory_space<vmem>>) attributes {dimension_semantics = [#tpu.dimension_semantics<arbitrary>], iteration_bounds = array<i64: 2>, scalar_prefetch = 0 : i64, scratch_operands = 1 : i64, tpu.core_type = #tpu.core_type<tc>, window_params = [{transform_indices = @transform_0, window_bounds = array<i64: 5000, 128>}, {pipeline_mode = #tpu.pipeline_mode<synchronous>, transform_indices = @transform_1, window_bounds = array<i64: 2, 10240>}, {pipeline_mode = #tpu.pipeline_mode<synchronous>, transform_indices = @transform_2, window_bounds = array<i64: 128, 128>}, {pipeline_mode = #tpu.pipeline_mode<synchronous>, transform_indices = @transform_3, window_bounds = array<i64: 128, 128>}, {pipeline_mode = #tpu.pipeline_mode<synchronous>, transform_indices = @transform_4, window_bounds = array<i64: 384, 128>}, {pipeline_mode = #tpu.pipeline_mode<synchronous>, transform_indices = @transform_5, window_bounds = array<i64: 384, 128>}, {pipeline_mode = #tpu.pipeline_mode<synchronous>, transform_indices = @transform_6, window_bounds = array<i64: 1, 384>}, {pipeline_mode = #tpu.pipeline_mode<synchronous>, transform_indices = @transform_7, window_bounds = array<i64: 1, 384>}, {transform_indices = @transform_8, window_bounds = array<i64: 5000, 128>}]} {
    %get3A = arith.constant 0 : index
    %get3A_0 = arith.constant 0 : index
    %get3A_1 = vector.load %arg1[%get3A, %get3A_0] : memref<5000x128xf32, #tpu.memory_space<vmem>>, vector<5000x128xf32>
    %convert_element_type3A = arith.truncf %get3A_1 : vector<5000x128xf32> to vector<5000x128xbf16>
    %get3A_2 = arith.constant 0 : index
    %get3A_3 = arith.constant 0 : index
    %get3A_4 = vector.load %arg6[%get3A_2, %get3A_3] : memref<384x128xf32, #tpu.memory_space<vmem>>, vector<384x128xf32>
    %convert_element_type3A_5 = arith.truncf %get3A_4 : vector<384x128xf32> to vector<384x128xbf16>
    %get3A_6 = arith.constant 0 : index
    %get3A_7 = arith.constant 0 : index
    %get3A_8 = vector.load %arg3[%get3A_6, %get3A_7] : memref<128x128xf32, #tpu.memory_space<vmem>>, vector<128x128xf32>
    %get3A_9 = arith.constant 0 : index
    %get3A_10 = arith.constant 0 : index
    %get3A_11 = vector.load %arg4[%get3A_9, %get3A_10] : memref<128x128xf32, #tpu.memory_space<vmem>>, vector<128x128xf32>
    %concatenate3A = tpu.concatenate %get3A_8, %get3A_11 in 0 : vector<128x128xf32>, vector<128x128xf32> -> vector<256x128xf32>
    %convert_element_type3A_12 = arith.truncf %concatenate3A : vector<256x128xf32> to vector<256x128xbf16>
    %dot_general3A = arith.constant dense<0.000000e+00> : vector<5000x256xf32>
    %dot_general3A_13 = tpu.matmul %convert_element_type3A, %convert_element_type3A_12, %dot_general3A {dimension_numbers = #tpu.dot_dimension_numbers<[1], [1], [0], [0], [0, 0, 1, 0], [], []>, transpose_lhs_hint = false} : vector<5000x128xbf16>, vector<256x128xbf16>, vector<5000x256xf32> -> vector<5000x256xf32>
    %eq3A = arith.constant 0 : i32
    %eq3A_14 = arith.cmpi eq, %arg0, %eq3A : i32
    %convert_element_type3A_15 = arith.extui %eq3A_14 : i1 to i32
    %cond3A = arith.constant 0 : i32
    %cond3A_16 = arith.cmpi ne, %convert_element_type3A_15, %cond3A : i32
    scf.if %cond3A_16 {
      %get3A_173 = arith.constant 0 : index
      %get3A_174 = arith.constant 0 : index
      %get3A_175 = vector.load %arg2[%get3A_173, %get3A_174] : memref<2x10240xf32, #tpu.memory_space<vmem>>, vector<2x10240xf32>
      %transpose3A = tpu.transpose %get3A_175, [1, 0] : vector<2x10240xf32> -> vector<10240x2xf32>
      %swap3A_176 = arith.constant 0 : index
      %swap3A_177 = arith.constant 0 : index
      %swap3A_178 = vector.load %arg10[%swap3A_176, %swap3A_177] : memref<10240x2xf32, #tpu.memory_space<vmem>>, vector<10240x2xf32>
      tpu.vector_store %arg10[%swap3A_176, %swap3A_177], %transpose3A {strides = array<i32>} : memref<10240x2xf32, #tpu.memory_space<vmem>>, vector<10240x2xf32>,
    } else {
    }
    %mul3A = arith.constant 5000 : i32
    %mul3A_17 = arith.muli %arg0, %mul3A : i32
    %get3A_18 = arith.index_cast %mul3A_17 : i32 to index
    %get3A_19 = arith.constant 0 : index
    %get3A_20 = vector.load %arg10[%get3A_18, %get3A_19] : memref<10240x2xf32, #tpu.memory_space<vmem>>, vector<5000x2xf32>
    %slice3A = vector.extract_strided_slice %get3A_20 {offsets = [0, 0], sizes = [5000, 1], strides = [1, 1]} : vector<5000x2xf32> to vector<5000x1xf32>
    %gt3A = arith.constant 0.000000e+00 : f32
    %gt3A_21 = vector.broadcast %gt3A : f32 to vector<5000x1xf32>
    %gt3A_22 = arith.cmpf ogt, %slice3A, %gt3A_21 : vector<5000x1xf32>
    %slice3A_23 = vector.extract_strided_slice %dot_general3A_13 {offsets = [0, 0], sizes = [5000, 128], strides = [1, 1]} : vector<5000x256xf32> to vector<5000x128xf32>
    %jit3A = arith.constant 0.000000e+00 : f32
    %broadcast_in_dim3A = vector.shape_cast %gt3A_22 : vector<5000x1xi1> to vector<5000x1xi1>
    %broadcast_in_dim3A_24 = vector.broadcast %broadcast_in_dim3A : vector<5000x1xi1> to vector<5000x128xi1>
    %broadcast_in_dim3A_25 = vector.broadcast %jit3A : f32 to vector<5000x128xf32>
    %select_n3A = arith.select %broadcast_in_dim3A_24, %slice3A_23, %broadcast_in_dim3A_25 : vector<5000x128xi1>, vector<5000x128xf32>
    %slice3A_26 = vector.extract_strided_slice %get3A_20 {offsets = [0, 1], sizes = [5000, 1], strides = [1, 1]} : vector<5000x2xf32> to vector<5000x1xf32>
    %gt3A_27 = arith.constant 0.000000e+00 : f32
    %gt3A_28 = vector.broadcast %gt3A_27 : f32 to vector<5000x1xf32>
    %gt3A_29 = arith.cmpf ogt, %slice3A_26, %gt3A_28 : vector<5000x1xf32>
    %slice3A_30 = vector.extract_strided_slice %dot_general3A_13 {offsets = [0, 128], sizes = [5000, 128], strides = [1, 1]} : vector<5000x256xf32> to vector<5000x128xf32>
    %jit3A_31 = arith.constant 0.000000e+00 : f32
    %broadcast_in_dim3A_32 = vector.shape_cast %gt3A_29 : vector<5000x1xi1> to vector<5000x1xi1>
    %broadcast_in_dim3A_33 = vector.broadcast %broadcast_in_dim3A_32 : vector<5000x1xi1> to vector<5000x128xi1>
    %broadcast_in_dim3A_34 = vector.broadcast %jit3A_31 : f32 to vector<5000x128xf32>
    %select_n3A_35 = arith.select %broadcast_in_dim3A_33, %slice3A_30, %broadcast_in_dim3A_34 : vector<5000x128xi1>, vector<5000x128xf32>
    %max3A = arith.maximumf %select_n3A, %select_n3A_35 : vector<5000x128xf32>
    %get3A_36 = arith.constant 0 : index
    %get3A_37 = arith.constant 0 : index
    %get3A_38 = vector.load %arg5[%get3A_36, %get3A_37] : memref<384x128xf32, #tpu.memory_space<vmem>>, vector<384x128xf32>
    %convert_element_type3A_39 = arith.truncf %get3A_38 : vector<384x128xf32> to vector<384x128xbf16>
    %convert_element_type3A_40 = arith.truncf %max3A : vector<5000x128xf32> to vector<5000x128xbf16>
    %dot_general3A_41 = arith.constant dense<0.000000e+00> : vector<5000x384xf32>
    %dot_general3A_42 = tpu.matmul %convert_element_type3A_40, %convert_element_type3A_39, %dot_general3A_41 {dimension_numbers = #tpu.dot_dimension_numbers<[1], [1], [0], [0], [0, 0, 1, 0], [], []>, transpose_lhs_hint = false} : vector<5000x128xbf16>, vector<384x128xbf16>, vector<5000x384xf32> -> vector<5000x384xf32>
    %get3A_43 = arith.constant 0 : index
    %get3A_44 = arith.constant 0 : index
    %get3A_45 = vector.load %arg7[%get3A_43, %get3A_44] : memref<1x384xf32, #tpu.memory_space<vmem>>, vector<1x384xf32>
    %add3A = vector.broadcast %get3A_45 : vector<1x384xf32> to vector<5000x384xf32>
    %add3A_46 = arith.addf %dot_general3A_42, %add3A : vector<5000x384xf32>
    %convert_element_type3A_47 = arith.truncf %get3A_1 : vector<5000x128xf32> to vector<5000x128xbf16>
    %dot_general3A_48 = arith.constant dense<0.000000e+00> : vector<5000x384xf32>
    %dot_general3A_49 = tpu.matmul %convert_element_type3A_47, %convert_element_type3A_5, %dot_general3A_48 {dimension_numbers = #tpu.dot_dimension_numbers<[1], [1], [0], [0], [0, 0, 1, 0], [], []>, transpose_lhs_hint = false} : vector<5000x128xbf16>, vector<384x128xbf16>, vector<5000x384xf32> -> vector<5000x384xf32>
    %get3A_50 = arith.constant 0 : index
    %get3A_51 = arith.constant 0 : index
    %get3A_52 = vector.load %arg8[%get3A_50, %get3A_51] : memref<1x384xf32, #tpu.memory_space<vmem>>, vector<1x384xf32>
    %add3A_53 = vector.broadcast %get3A_52 : vector<1x384xf32> to vector<5000x384xf32>
    %add3A_54 = arith.addf %dot_general3A_49, %add3A_53 : vector<5000x384xf32>
    %slice3A_55 = vector.extract_strided_slice %add3A_46 {offsets = [0, 0], sizes = [5000, 128], strides = [1, 1]} : vector<5000x384xf32> to vector<5000x128xf32>
    %slice3A_56 = vector.extract_strided_slice %add3A_54 {offsets = [0, 0], sizes = [5000, 128], strides = [1, 1]} : vector<5000x384xf32> to vector<5000x128xf32>
    %add3A_57 = arith.addf %slice3A_55, %slice3A_56 : vector<5000x128xf32>
    %mul3A_58 = arith.constant 5.000000e-01 : f32
    %mul3A_59 = vector.broadcast %mul3A_58 : f32 to vector<5000x128xf32>
    %mul3A_60 = arith.mulf %mul3A_59, %add3A_57 : vector<5000x128xf32>
    %tanh3A = math.tanh %mul3A_60 : vector<5000x128xf32>
    %mul3A_61 = arith.constant 5.000000e-01 : f32
    %mul3A_62 = vector.broadcast %mul3A_61 : f32 to vector<5000x128xf32>
    %mul3A_63 = arith.mulf %mul3A_62, %tanh3A : vector<5000x128xf32>
    %add3A_64 = arith.constant 5.000000e-01 : f32
    %add3A_65 = vector.broadcast %add3A_64 : f32 to vector<5000x128xf32>
    %add3A_66 = arith.addf %mul3A_63, %add3A_65 : vector<5000x128xf32>
    %slice3A_67 = vector.extract_strided_slice %add3A_46 {offsets = [0, 128], sizes = [5000, 128], strides = [1, 1]} : vector<5000x384xf32> to vector<5000x128xf32>
    %slice3A_68 = vector.extract_strided_slice %add3A_54 {offsets = [0, 128], sizes = [5000, 128], strides = [1, 1]} : vector<5000x384xf32> to vector<5000x128xf32>
    %add3A_69 = arith.addf %slice3A_67, %slice3A_68 : vector<5000x128xf32>
    %mul3A_70 = arith.constant 5.000000e-01 : f32
    %mul3A_71 = vector.broadcast %mul3A_70 : f32 to vector<5000x128xf32>
    %mul3A_72 = arith.mulf %mul3A_71, %add3A_69 : vector<5000x128xf32>
    %tanh3A_73 = math.tanh %mul3A_72 : vector<5000x128xf32>
    %mul3A_74 = arith.constant 5.000000e-01 : f32
    %mul3A_75 = vector.broadcast %mul3A_74 : f32 to vector<5000x128xf32>
    %mul3A_76 = arith.mulf %mul3A_75, %tanh3A_73 : vector<5000x128xf32>
    %add3A_77 = arith.constant 5.000000e-01 : f32
    %add3A_78 = vector.broadcast %add3A_77 : f32 to vector<5000x128xf32>
    %add3A_79 = arith.addf %mul3A_76, %add3A_78 : vector<5000x128xf32>
    %slice3A_80 = vector.extract_strided_slice %add3A_46 {offsets = [0, 256], sizes = [5000, 128], strides = [1, 1]} : vector<5000x384xf32> to vector<5000x128xf32>
    %slice3A_81 = vector.extract_strided_slice %add3A_54 {offsets = [0, 256], sizes = [5000, 128], strides = [1, 1]} : vector<5000x384xf32> to vector<5000x128xf32>
    %mul3A_82 = arith.mulf %add3A_66, %slice3A_81 : vector<5000x128xf32>
    %add3A_83 = arith.addf %slice3A_80, %mul3A_82 : vector<5000x128xf32>
    %tanh3A_84 = math.tanh %add3A_83 : vector<5000x128xf32>
    %sub3A = arith.subf %get3A_1, %tanh3A_84 : vector<5000x128xf32>
    %mul3A_85 = arith.mulf %add3A_79, %sub3A : vector<5000x128xf32>
    %add3A_86 = arith.addf %tanh3A_84, %mul3A_85 : vector<5000x128xf32>
    %convert_element_type3A_87 = arith.truncf %add3A_86 : vector<5000x128xf32> to vector<5000x128xbf16>
    %dot_general3A_88 = arith.constant dense<0.000000e+00> : vector<5000x384xf32>
    %dot_general3A_89 = tpu.matmul %convert_element_type3A_87, %convert_element_type3A_5, %dot_general3A_88 {dimension_numbers = #tpu.dot_dimension_numbers<[1], [1], [0], [0], [0, 0, 1, 0], [], []>, transpose_lhs_hint = false} : vector<5000x128xbf16>, vector<384x128xbf16>, vector<5000x384xf32> -> vector<5000x384xf32>
    %get3A_90 = arith.constant 0 : index
    %get3A_91 = arith.constant 0 : index
    %get3A_92 = vector.load %arg8[%get3A_90, %get3A_91] : memref<1x384xf32, #tpu.memory_space<vmem>>, vector<1x384xf32>
    %add3A_93 = vector.broadcast %get3A_92 : vector<1x384xf32> to vector<5000x384xf32>
    %add3A_94 = arith.addf %dot_general3A_89, %add3A_93 : vector<5000x384xf32>
    %slice3A_95 = vector.extract_strided_slice %add3A_46 {offsets = [0, 0], sizes = [5000, 128], strides = [1, 1]} : vector<5000x384xf32> to vector<5000x128xf32>
    %slice3A_96 = vector.extract_strided_slice %add3A_94 {offsets = [0, 0], sizes = [5000, 128], strides = [1, 1]} : vector<5000x384xf32> to vector<5000x128xf32>
    %add3A_97 = arith.addf %slice3A_95, %slice3A_96 : vector<5000x128xf32>
    %mul3A_98 = arith.constant 5.000000e-01 : f32
    %mul3A_99 = vector.broadcast %mul3A_98 : f32 to vector<5000x128xf32>
    %mul3A_100 = arith.mulf %mul3A_99, %add3A_97 : vector<5000x128xf32>
    %tanh3A_101 = math.tanh %mul3A_100 : vector<5000x128xf32>
    %mul3A_102 = arith.constant 5.000000e-01 : f32
    %mul3A_103 = vector.broadcast %mul3A_102 : f32 to vector<5000x128xf32>
    %mul3A_104 = arith.mulf %mul3A_103, %tanh3A_101 : vector<5000x128xf32>
    %add3A_105 = arith.constant 5.000000e-01 : f32
    %add3A_106 = vector.broadcast %add3A_105 : f32 to vector<5000x128xf32>
    %add3A_107 = arith.addf %mul3A_104, %add3A_106 : vector<5000x128xf32>
    %slice3A_108 = vector.extract_strided_slice %add3A_46 {offsets = [0, 128], sizes = [5000, 128], strides = [1, 1]} : vector<5000x384xf32> to vector<5000x128xf32>
    %slice3A_109 = vector.extract_strided_slice %add3A_94 {offsets = [0, 128], sizes = [5000, 128], strides = [1, 1]} : vector<5000x384xf32> to vector<5000x128xf32>
    %add3A_110 = arith.addf %slice3A_108, %slice3A_109 : vector<5000x128xf32>
    %mul3A_111 = arith.constant 5.000000e-01 : f32
    %mul3A_112 = vector.broadcast %mul3A_111 : f32 to vector<5000x128xf32>
    %mul3A_113 = arith.mulf %mul3A_112, %add3A_110 : vector<5000x128xf32>
    %tanh3A_114 = math.tanh %mul3A_113 : vector<5000x128xf32>
    %mul3A_115 = arith.constant 5.000000e-01 : f32
    %mul3A_116 = vector.broadcast %mul3A_115 : f32 to vector<5000x128xf32>
    %mul3A_117 = arith.mulf %mul3A_116, %tanh3A_114 : vector<5000x128xf32>
    %add3A_118 = arith.constant 5.000000e-01 : f32
    %add3A_119 = vector.broadcast %add3A_118 : f32 to vector<5000x128xf32>
    %add3A_120 = arith.addf %mul3A_117, %add3A_119 : vector<5000x128xf32>
    %slice3A_121 = vector.extract_strided_slice %add3A_46 {offsets = [0, 256], sizes = [5000, 128], strides = [1, 1]} : vector<5000x384xf32> to vector<5000x128xf32>
    %slice3A_122 = vector.extract_strided_slice %add3A_94 {offsets = [0, 256], sizes = [5000, 128], strides = [1, 1]} : vector<5000x384xf32> to vector<5000x128xf32>
    %mul3A_123 = arith.mulf %add3A_107, %slice3A_122 : vector<5000x128xf32>
    %add3A_124 = arith.addf %slice3A_121, %mul3A_123 : vector<5000x128xf32>
    %tanh3A_125 = math.tanh %add3A_124 : vector<5000x128xf32>
    %sub3A_126 = arith.subf %add3A_86, %tanh3A_125 : vector<5000x128xf32>
    %mul3A_127 = arith.mulf %add3A_120, %sub3A_126 : vector<5000x128xf32>
    %add3A_128 = arith.addf %tanh3A_125, %mul3A_127 : vector<5000x128xf32>
    %convert_element_type3A_129 = arith.truncf %add3A_128 : vector<5000x128xf32> to vector<5000x128xbf16>
    %dot_general3A_130 = arith.constant dense<0.000000e+00> : vector<5000x384xf32>
    %dot_general3A_131 = tpu.matmul %convert_element_type3A_129, %convert_element_type3A_5, %dot_general3A_130 {dimension_numbers = #tpu.dot_dimension_numbers<[1], [1], [0], [0], [0, 0, 1, 0], [], []>, transpose_lhs_hint = false} : vector<5000x128xbf16>, vector<384x128xbf16>, vector<5000x384xf32> -> vector<5000x384xf32>
    %get3A_132 = arith.constant 0 : index
    %get3A_133 = arith.constant 0 : index
    %get3A_134 = vector.load %arg8[%get3A_132, %get3A_133] : memref<1x384xf32, #tpu.memory_space<vmem>>, vector<1x384xf32>
    %add3A_135 = vector.broadcast %get3A_134 : vector<1x384xf32> to vector<5000x384xf32>
    %add3A_136 = arith.addf %dot_general3A_131, %add3A_135 : vector<5000x384xf32>
    %slice3A_137 = vector.extract_strided_slice %add3A_46 {offsets = [0, 0], sizes = [5000, 128], strides = [1, 1]} : vector<5000x384xf32> to vector<5000x128xf32>
    %slice3A_138 = vector.extract_strided_slice %add3A_136 {offsets = [0, 0], sizes = [5000, 128], strides = [1, 1]} : vector<5000x384xf32> to vector<5000x128xf32>
    %add3A_139 = arith.addf %slice3A_137, %slice3A_138 : vector<5000x128xf32>
    %mul3A_140 = arith.constant 5.000000e-01 : f32
    %mul3A_141 = vector.broadcast %mul3A_140 : f32 to vector<5000x128xf32>
    %mul3A_142 = arith.mulf %mul3A_141, %add3A_139 : vector<5000x128xf32>
    %tanh3A_143 = math.tanh %mul3A_142 : vector<5000x128xf32>
    %mul3A_144 = arith.constant 5.000000e-01 : f32
    %mul3A_145 = vector.broadcast %mul3A_144 : f32 to vector<5000x128xf32>
    %mul3A_146 = arith.mulf %mul3A_145, %tanh3A_143 : vector<5000x128xf32>
    %add3A_147 = arith.constant 5.000000e-01 : f32
    %add3A_148 = vector.broadcast %add3A_147 : f32 to vector<5000x128xf32>
    %add3A_149 = arith.addf %mul3A_146, %add3A_148 : vector<5000x128xf32>
    %slice3A_150 = vector.extract_strided_slice %add3A_46 {offsets = [0, 128], sizes = [5000, 128], strides = [1, 1]} : vector<5000x384xf32> to vector<5000x128xf32>
    %slice3A_151 = vector.extract_strided_slice %add3A_136 {offsets = [0, 128], sizes = [5000, 128], strides = [1, 1]} : vector<5000x384xf32> to vector<5000x128xf32>
    %add3A_152 = arith.addf %slice3A_150, %slice3A_151 : vector<5000x128xf32>
    %mul3A_153 = arith.constant 5.000000e-01 : f32
    %mul3A_154 = vector.broadcast %mul3A_153 : f32 to vector<5000x128xf32>
    %mul3A_155 = arith.mulf %mul3A_154, %add3A_152 : vector<5000x128xf32>
    %tanh3A_156 = math.tanh %mul3A_155 : vector<5000x128xf32>
    %mul3A_157 = arith.constant 5.000000e-01 : f32
    %mul3A_158 = vector.broadcast %mul3A_157 : f32 to vector<5000x128xf32>
    %mul3A_159 = arith.mulf %mul3A_158, %tanh3A_156 : vector<5000x128xf32>
    %add3A_160 = arith.constant 5.000000e-01 : f32
    %add3A_161 = vector.broadcast %add3A_160 : f32 to vector<5000x128xf32>
    %add3A_162 = arith.addf %mul3A_159, %add3A_161 : vector<5000x128xf32>
    %slice3A_163 = vector.extract_strided_slice %add3A_46 {offsets = [0, 256], sizes = [5000, 128], strides = [1, 1]} : vector<5000x384xf32> to vector<5000x128xf32>
    %slice3A_164 = vector.extract_strided_slice %add3A_136 {offsets = [0, 256], sizes = [5000, 128], strides = [1, 1]} : vector<5000x384xf32> to vector<5000x128xf32>
    %mul3A_165 = arith.mulf %add3A_149, %slice3A_164 : vector<5000x128xf32>
    %add3A_166 = arith.addf %slice3A_163, %mul3A_165 : vector<5000x128xf32>
    %tanh3A_167 = math.tanh %add3A_166 : vector<5000x128xf32>
    %sub3A_168 = arith.subf %add3A_128, %tanh3A_167 : vector<5000x128xf32>
    %mul3A_169 = arith.mulf %add3A_162, %sub3A_168 : vector<5000x128xf32>
    %add3A_170 = arith.addf %tanh3A_167, %mul3A_169 : vector<5000x128xf32>
    %swap3A = arith.constant 0 : index
    %swap3A_171 = arith.constant 0 : index
    %swap3A_172 = vector.load %arg9[%swap3A, %swap3A_171] : memref<5000x128xf32, #tpu.memory_space<vmem>>, vector<5000x128xf32>
    tpu.vector_store %arg9[%swap3A, %swap3A_171], %add3A_170 {strides = array<i32>} : memref<5000x128xf32, #tpu.memory_space<vmem>>, vector<5000x128xf32>,
    return
  }
  func.func @transform_0(%arg0: i32) -> (i32, i32) {
    %c0_i32 = arith.constant 0 : i32
    %c0_i32_0 = arith.constant 0 : i32
    return %arg0, %c0_i32 : i32, i32
  }
  func.func @transform_1(%arg0: i32) -> (i32, i32) {
    %c0_i32 = arith.constant 0 : i32
    %c0_i32_0 = arith.constant 0 : i32
    %c0_i32_1 = arith.constant 0 : i32
    return %c0_i32, %c0_i32_0 : i32, i32
  }
  func.func @transform_2(%arg0: i32) -> (i32, i32) {
    %c0_i32 = arith.constant 0 : i32
    %c0_i32_0 = arith.constant 0 : i32
    %c0_i32_1 = arith.constant 0 : i32
    return %c0_i32, %c0_i32_0 : i32, i32
  }
  func.func @transform_3(%arg0: i32) -> (i32, i32) {
    %c0_i32 = arith.constant 0 : i32
    %c0_i32_0 = arith.constant 0 : i32
    %c0_i32_1 = arith.constant 0 : i32
    return %c0_i32, %c0_i32_0 : i32, i32
  }
  func.func @transform_4(%arg0: i32) -> (i32, i32) {
    %c0_i32 = arith.constant 0 : i32
    %c0_i32_0 = arith.constant 0 : i32
    %c0_i32_1 = arith.constant 0 : i32
    return %c0_i32, %c0_i32_0 : i32, i32
  }
  func.func @transform_5(%arg0: i32) -> (i32, i32) {
    %c0_i32 = arith.constant 0 : i32
    %c0_i32_0 = arith.constant 0 : i32
    %c0_i32_1 = arith.constant 0 : i32
    return %c0_i32, %c0_i32_0 : i32, i32
  }
  func.func @transform_6(%arg0: i32) -> (i32, i32) {
    %c0_i32 = arith.constant 0 : i32
    %c0_i32_0 = arith.constant 0 : i32
    %c0_i32_1 = arith.constant 0 : i32
    return %c0_i32, %c0_i32_0 : i32, i32
  }
  func.func @transform_7(%arg0: i32) -> (i32, i32) {
    %c0_i32 = arith.constant 0 : i32
    %c0_i32_0 = arith.constant 0 : i32
    %c0_i32_1 = arith.constant 0 : i32
    return %c0_i32, %c0_i32_0 : i32, i32
  }
  func.func @transform_8(%arg0: i32) -> (i32, i32) {
    %c0_i32 = arith.constant 0 : i32
    %c0_i32_0 = arith.constant 0 : i32
    return %arg0, %c0_i32 : i32, i32
  }
}

</mosaic_0001>

<sc_bundles>
// kernel: kernel.4.cloned.1.call-start
scs
__scs_entry_jumppad:
0x0: {  	(pc) =	sbr.rel $0x88, $3  }
0x1: {  	(tag) =	ssettag $0x0;
	lr =	simm.s32 $0x1  }
0x2: {  	[smem:$0x3F98] =	sst lr;
	_ =	strace $0xD0000000  }
0x3: {  	_ = 	snop  }
0x4: {  	_ = 	snop  }
0x5: {  	_ = 	snop  }
0x6: {  	_ = 	snop  }
0x7: {  	_ = 	snop  }
__scs_overlays_trampoline_lowered:
0x8: {  	[smem:$0x3FA7] =	sst s0  }
0x9: {  	[smem:$0x3FA8] =	sst s1  }
0xa: {  	[smem:$0x3FA9] =	sst s2  }
0xb: {  	[smem:$0x3FAA] =	sst s3  }
0xc: {  	[smem:$0x3FAB] =	sst s4  }
0xd: {  	[smem:$0x3FAC] =	sst s5  }
0xe: {  	[smem:$0x3FAD] =	sst s6  }
0xf: {  	[smem:$0x3FAE] =	sst s7  }
0x10: {  	[smem:$0x3FAF] =	sst s8  }
0x11: {  	[smem:$0x3FB0] =	sst s9;
	s0 =	simm.s32 @!p0 $0x0  }
0x12: {  	s1 =	sld [smem:$0x3F96];
	s0 =	simm.s32 @p0 $0x1  }
0x13: {  	[smem:$0x3FB1] =	sst s0;
	s0 =	simm.s32 @!p1 $0x0  }
0x14: {  	s2 =	sld [smem:$0x3F95];
	s0 =	simm.s32 @p1 $0x1  }
0x15: {  	[smem:$0x3FB2] =	sst s0;
	s0 =	simm.s32 @!p2 $0x0  }
0x16: {  	s3 =	sld [smem:$0x3FDB];
	s0 =	simm.s32 @p2 $0x1  }
0x17: {  	s4 =	simm.s32 $0x1BF5;
	[smem:$0x3FB4] =	sst s0  }
0x18: {  	s0 =	sld [smem:$0x3F97];
	_ =	swait.ge [sflag:s4], $0x0  }
0x19: {  	s7 =	sld [smem:$0x3F98]  }
0x1a: {  	s8 =	sadd.s32 $0xFFFFE003, lr  }
0x1b: {  	s9 =	sadd.s32 $0xFFFFFEF7, lr;
	s5 =	simm.s32 $0xFFFFFFFF;
	p2 =	slt.u32 s8, $0xFFFFF086  }
0x1c: {  	p1 =	slt.u32 s9, $0xF7A;
	s5 =	simm.s32 @!p2 $0x0  }
0x1d: {  	s5 =	simm.s32 @p1 $0x1;
	p0 =	seq.s32 s7, s2  }
0x1e: {  	s7 =	smul.u32 @!p0 $0xF7A, s2;
	p2 =	seq.s32 @!p0 s5, $0x0  }
0x1f: {  	s9 =	smul.u32 $0xF7A, s1;
	s8 =	simm.s32 @!p0 $0x1BF5;
	p2 =	por !p2, p0  }
0x20: {  	[sflag:s8] =	ssyncset.s32 @!p0 $0xFFFFF086;
	s6 =	sadd.s32 @!p0 s3, s7;
	s7 =	simm.s32 @!p0 $0x108  }
0x21: {  	s3 =	sadd.s32 s3, s9;
	s6 =	sadd.s32 @!p0 $0x88, s6;
	s7 =	simm.s32 @p2 $0x1082  }
0x22: {  	[simem:s7], [sflag:s8] =	dma.local @!p0 [hbm:s6], $0xF7A  }
0x23: {  	s9 =	sor.u32 $0xD0000000, s2;
	s6 =	simm.s32 $0x108;
	_ =	swait.ge @!p0 [sflag:s8], $0x0  }
0x24: {  	s3 =	sadd.s32 $0x88, s3;
	s6 =	simm.s32 @!p1 $0x1082;
	[sflag:s4] =	ssyncset.s32 $0xFFFFF086  }
0x25: {  	[simem:s6], [sflag:s4] =	dma.local [hbm:s3], $0xF7A  }
0x26: {  	[smem:$0x3F98] =	sst s1;
	(tag) =	ssettag s2;
	_ =	strace s9  }
0x27: {  	s1 =	sld [smem:$0x3FA8]  }
0x28: {  	s2 =	sld [smem:$0x3FA9]  }
0x29: {  	s4 =	sld [smem:$0x3FAB]  }
0x2a: {  	p0 =	seq.s32 s5, $0x0;
	s5 =	sld [smem:$0x3FAC]  }
0x2b: {  	s6 =	sld [smem:$0x3FAD]  }
0x2c: {  	s7 =	sld [smem:$0x3FAE]  }
0x2d: {  	s3 =	simm.s32 $0x108;
	s8 =	sld [smem:$0x3FAF]  }
0x2e: {  	s3 =	simm.s32 @!p0 $0x1082;
	s9 =	sld [smem:$0x3FB0]  }
0x2f: {  	lr =	sadd.s32 s0, s3;
	s0 =	sld [smem:$0x3FA7]  }
0x30: {  	s3 =	sld [smem:$0x3FAA]  }
0x31: {  	[smem:$0x3FB3] =	sst s10  }
0x32: {  	s10 =	sld [smem:$0x3FB1];
	_ =	sdelay $0x3  }
0x33: {  	p0 =	seq.s32 s10, $0x1;
	s10 =	sld [smem:$0x3FB3];
	_ =	sdelay $0x3  }
0x34: {  	[smem:$0x3FB3] =	sst s10  }
0x35: {  	s10 =	sld [smem:$0x3FB2];
	_ =	sdelay $0x3  }
0x36: {  	p1 =	seq.s32 s10, $0x1;
	s10 =	sld [smem:$0x3FB3];
	_ =	sdelay $0x3  }
0x37: {  	[smem:$0x3FB3] =	sst s10  }
0x38: {  	s10 =	sld [smem:$0x3FB4]  }
0x39: {  	_ = 	snop;
	(pc) =	sbr.ind lr, $3  }
0x3a: {  	_ = 	snop  }
0x3b: {  	_ = 	snop  }
0x3c: {  	p2 =	seq.s32 s10, $0x1;
	s10 =	sld [smem:$0x3FB3]  }
0x3d: {  	_ =	shalt  }
0x3e: {  	_ =	shalt  }
0x3f: {  	_ =	shalt  }
0x40: {  	_ =	shalt  }
0x41: {  	_ =	shalt  }
0x42: {  	_ =	shalt  }
0x43: {  	_ =	shalt  }
0x44: {  	_ =	shalt  }
0x45: {  	_ =	shalt  }
0x46: {  	_ =	shalt  }
0x47: {  	_ =	shalt  }
0x48: {  	_ =	shalt  }
0x49: {  	_ =	shalt  }
0x4a: {  	_ =	shalt  }
0x4b: {  	_ =	shalt  }
0x4c: {  	_ =	shalt  }
0x4d: {  	_ =	shalt  }
0x4e: {  	_ =	shalt  }
0x4f: {  	_ =	shalt  }
0x50: {  	_ =	shalt  }
0x51: {  	_ =	shalt  }
0x52: {  	_ =	shalt  }
0x53: {  	_ =	shalt  }
0x54: {  	_ =	shalt  }
0x55: {  	_ =	shalt  }
0x56: {  	_ =	shalt  }
0x57: {  	_ =	shalt  }
0x58: {  	_ =	shalt  }
0x59: {  	_ =	shalt  }
0x5a: {  	_ =	shalt  }
0x5b: {  	_ =	shalt  }
0x5c: {  	_ =	shalt  }
0x5d: {  	_ =	shalt  }
0x5e: {  	_ =	shalt  }
0x5f: {  	_ =	shalt  }
0x60: {  	_ =	shalt  }
0x61: {  	_ =	shalt  }
0x62: {  	_ =	shalt  }
0x63: {  	_ =	shalt  }
0x64: {  	_ =	shalt  }
0x65: {  	_ =	shalt  }
0x66: {  	_ =	shalt  }
0x67: {  	_ =	shalt  }
0x68: {  	_ =	shalt  }
0x69: {  	_ =	shalt  }
0x6a: {  	_ =	shalt  }
0x6b: {  	_ =	shalt  }
0x6c: {  	_ =	shalt  }
0x6d: {  	_ =	shalt  }
0x6e: {  	_ =	shalt  }
0x6f: {  	_ =	shalt  }
0x70: {  	_ =	shalt  }
0x71: {  	_ =	shalt  }
0x72: {  	_ =	shalt  }
0x73: {  	_ =	shalt  }
0x74: {  	_ =	shalt  }
0x75: {  	_ =	shalt  }
0x76: {  	_ =	shalt  }
0x77: {  	_ =	shalt  }
0x78: {  	_ =	shalt  }
0x79: {  	_ =	shalt  }
0x7a: {  	_ =	shalt  }
0x7b: {  	_ =	shalt  }
0x7c: {  	_ =	shalt  }
0x7d: {  	_ =	shalt  }
0x7e: {  	_ =	shalt  }
0x7f: {  	_ =	shalt  }
0x80: {  	_ =	shalt  }
0x81: {  	_ =	shalt  }
0x82: {  	_ =	shalt  }
0x83: {  	_ =	shalt  }
0x84: {  	_ =	shalt  }
0x85: {  	_ =	shalt  }
0x86: {  	_ =	shalt  }
0x87: {  	_ =	shalt  }
.Lfunc_end0:
.L_simem_size_0:
called_computation_lowered:
.L_overlay_start_0:
0x88: {  	s2 =	sld [smem:$0x3FD9]  }
0x89: {  	s3 =	sld [smem:$0x3FFE];
	_ =	sdelay $0x1  }
0x8a: {  	s1 =	srdreg.scid  }
0x8b: {  	s0 =	sand.u32 $0x1, s1  }
0x8c: {  	s18 =	sshll.u32 s0, $0xA;
	s2 =	sadd.s32 s3, s2  }
0x8d: {  	s2 =	sadd.s32 s2, s18  }
0x8e: {  	[smem:$0x3FBF] =	sst s2  }
0x8f: {  	_ = 	snop  }
0x90: {  	s2 =	sld [smem:$0x3FC2]  }
0x91: {  	s19 =	sld [smem:$0x3FC1]  }
0x92: {  	s4 =	sld [smem:$0x3FD0];
	(tm) =	ssettm $0x1  }
0x93: {  	s5 =	sld [smem:$0x3FFB];
	_ =	sdelay $0x3  }
0x94: {  	_ =	strace s5  }
0x95: {  	s5 =	sld [smem:$0x3FFC];
	_ =	sdelay $0x3  }
0x96: {  	_ =	strace s5  }
0x97: {  	s5 =	sld [smem:$0x3FFD];
	_ =	sdelay $0x3  }
0x98: {  	_ =	strace s5  }
0x99: {  	_ =	strace $0x8FFFFFFF  }
0x9a: {  	s20 =	sld [smem:$0x3FDB];
	_ =	sdelay $0x1  }
0x9b: {  	s6 =	simm.s32 $_scs_section_size  }
0x9c: {  	s7 =	simm.s32 $_size__tile_overlayer_lowered;
	s8 =	simm.s32 $_tile_overlayer_lowered  }
0x9d: {  	s23 =	simm.s32 $0x1BFF;
	s22 =	sshll.u32 s8, $0x1;
	s5 =	sadd.s32 s6, s20  }
0x9e: {  	s9 =	simm.s32 $0x0;
	s21 =	sshll.u32 s7, $0x1;
	s7 =	sadd.s32 s22, s5  }
0x9f: {  	[timem:s9], [sflag:s23] =	dma.local [hbm:s7], s21  }
0xa0: {  	_ =	swait.ge [sflag:s23], s21  }
0xa1: {  	s6 =	ssub.s32 $0x0, s21;
	[sflag:s23] =	ssyncset.done $0x0  }
0xa2: {  	[sflag:s23] =	ssyncadd.s32 s6;
	_ =	sdelay $0x1  }
0xa3: {  	s24 =	simm.s32 $0x1B8B  }
0xa4: {  	_ =	swait.ge [sflag:s24], $0x1  }
0xa5: {  	[sflag:s24] =	ssyncset.done $0x0  }
0xa6: {  	s25 =	simm.s32 $0x1B8E;
	[sflag:s24] =	ssyncadd.s32 $0xFFFFFFFF  }
0xa7: {  	s26 =	simm.s32 $execute0_lowered;
	[smem:$0x3FD2] =	sst s25  }
0xa8: {  	s6 =	sshll.u32 s26, $0x1;
	_ =	strace $0x80000046;
	[dreg:$0x1] =	wrdreg $0xFFFFFFFF  }
0xa9: {  	s28 =	simm.s32 $_size_execute0_lowered;
	s5 =	sadd.s32 s5, s6;
	[dreg:$0x0] =	wrdreg $0x0  }
0xaa: {  	s6 =	sshll.u32 s28, $0x1;
	[dreg:$0x2] =	wrdreg s5  }
0xab: {  	[dreg:$0x3] =	wrdreg s6  }
0xac: {  	[dreg:$0x4] =	wrdreg $0xC0  }
0xad: {  	_ =	task [dreg:s9], $0x5FFFF  }
0xae: {  	[dreg:$0x1] =	wrdreg $0xFFFFFFFF  }
0xaf: {  	[dreg:$0x0] =	wrdreg $0x60  }
0xb0: {  	[dreg:$0x2] =	wrdreg s2  }
0xb1: {  	[dreg:$0x3] =	wrdreg s19  }
0xb2: {  	[dreg:$0x4] =	wrdreg s4  }
0xb3: {  	[dreg:$0x5] =	wrdreg $0x53000  }
0xb4: {  	[dreg:$0x6] =	wrdreg $0x9  }
0xb5: {  	_ =	task.clear_ibuf [dreg:s9], $0x7FFFF;
	_ =	strace $0x90000046  }
0xb6: {  	s29 =	simm.s32 $0x9;
	_ =	strace $0x80000048  }
0xb7: {  	_ =	swait.ge [sflag:s29], $0x1  }
0xb8: {  	[sflag:s29] =	ssyncadd.s32 $0xFFFFFFFF  }
0xb9: {  	_ =	strace $0x90000048  }
0xba: {  	_ =	sfence  }
0xbb: {  	s30 =	sld [smem:$0x0];
	_ =	sdelay $0x2  }
0xbc: {  	s31 =	sshll.u32 s1, $0xD;
	s1 =	sshrl.u32 s1, $0x2  }
0xbd: {  	s3 =	sand.u32 $0x4000, s31;
	s1 =	sadd.s32 s1, s30  }
0xbe: {  	s0 =	sor.u32 s3, s0;
	s1 =	sshll.u32 s1, $0x11  }
0xbf: {  	s0 =	sor.u32 s1, s0  }
0xc0: {  	s0 =	sadd.s32 $0x8F2B, s0  }
0xc1: {  	[sflag:s0] =	ssyncadd.remote.s32 $0x1  }
0xc2: {  	_ =	sfence.sel $0xFFFF  }
0xc3: {  	[dreg:$0x0] =	wrdreg $0xFFFFFFFF;
	(pc) =	sbr.abs _section_cstart, $3  }
0xc4: {  	[dreg:$0x1] =	wrdreg $0xFFFFFFFF  }
0xc5: {  	_ =	task.clear_ibuf [dreg:s9], $0x2FFFF;
	_ =	strace $0x9FFFFFFF  }
0xc6: {  	(tm) =	ssettm $0x7FFFFFFF  }
0xc7: {  	_ =	shalt  }
tec
execute0_lowered:
.L_overlay_start_1:
0x0: {  	(tag) =	ssettag $0x1  }
0x1: {  	s7 =	rddreg [dreg:$0x0]  }
0x2: {  	s8 =	rddreg [dreg:$0x1]  }
0x3: {  	s5 =	rddreg [dreg:$0x2]  }
0x4: {  	s2 =	rddreg [dreg:$0x3]  }
0x5: {  	s0 =	rddreg [dreg:$0x4];
	s4 =	srdreg.scid  }
0x6: {  	s3 =	simm.s32 $0x0;
	s1 =	stileid.u32;
	s13 =	simm.s32 $0x5000  }
0x7: {  	s14 =	simm.s32 $0x2;
	s17 =	simm.s32 $0x20;
	s9 =	smul.u32 $0x500, s1  }
0x8: {  	s18 =	simm.s32 $0x10;
	s19 =	simm.s32 $0x0;
	s11 =	smul.u32 $0xA00, s1  }
0x9: {  	s4 =	sand.u32 $0x1, s4;
	[smem:$0x7FF] =	sst s3;
	s31 =	smul.u32 $0x9C0, s1  }
0xa: {  	s15 =	sshll.u32 s1, $0x6;
	s6 =	ssub.s32 $0x2, s4;
	s12 =	sshll.u32 s4, $0x7  }
0xb: {  	_ =	strace $0x80000047;
	p0 =	seq.s32 s4, $0x1;
	s15 =	sor.u32 $0x1C03, s15  }
0xc: {  	s10 =	sshrl.u32 s6, $0x1;
	s9 =	sor.u32 s12, s9;
	s30 =	sshrl.u32 s11, $0x2  }
0xd: {  	s7 =	sadd.s32 s31, s7;
	s8 =	sadd.s32 s31, s8;
	s11 =	simm.s32 $0x1  }
0xe: {  	s12 =	simm.s32 $0x80;
	s6 =	ssub.s32 s6, s10;
	s9 =	sshrl.u32 s9, $0x3  }
0xf: {  	s4 =	sadd.s32 s30, s2;
	s10 =	simm.s32 $0x3;
	s5 =	sadd.s32 s5, s9  }
0x10: {  	v0 =	vimm.f32 $1.000000000e+00;
	v1 =	vimm.f32 $0.0e+00;
	s6 =	smax.u32 s6, $0x1;
	s9 =	simm.s32 $0x5080;
	s16 =	sshrl.u32 s4, $0x3  }
.LBB2_1:
.Ltmp0:
0x11: {  	(pc) =	sbr.rel @!p0 .LBB2_2-.Ltmp0, $2  }
0x12: {  	_ =	sdelay $0x2  }
0x13: {  	s20 =	simm.s32 $0x20  }
0x14: {  	s23 =	sadd.s32 $0x0, s8;
	s21 =	simm.s32 $0x100;
	s22 =	simm.s32 $0x0  }
.LBB2_6:
0x15: {  	[tilespmem:s22], [sflag:$0x1] =	stream.linear.gather [hbm4b:s23+s3], $0x100, $0x38;
	[tilespmem:$0x5580] =	vst v63  }
0x16: {  	s23 =	smov.u32 s20;
	s22 =	smov.u32 s21;
	p1 =	sne.s32 s20, $0x9E0  }
.Ltmp1:
0x17: {  	s20 =	sadd.s32 $0x20, s20;
	(pc) =	sbr.rel @p1 .LBB2_6-.Ltmp1, $2  }
0x18: {  	_ =	sdelay $0x2  }
0x19: {  	s21 =	sadd.s32 $0x100, s21;
	s23 =	sadd.s32 s23, s8  }
.Ltmp2:
0x1a: {  	(pc) =	sbr.rel .LBB2_8-.Ltmp2, $2  }
0x1b: {  	_ =	sdelay $0x2  }
0x1c: {  	[tilespmem:s22], [sflag:$0x1] =	stream.linear.gather [hbm4b:s23+s3], $0x100, $0x38;
	[tilespmem:$0x5580] =	vst v63  }
.LBB2_2:
0x1d: {  	s23 =	sadd.s32 $0x0, s7;
	s21 =	simm.s32 $0x100;
	s22 =	simm.s32 $0x0  }
.LBB2_3:
0x1e: {  	[tilespmem:s22], [sflag:$0x1] =	stream.linear.gather [hbm4b:s23+s3], $0x100, $0x38;
	[tilespmem:$0x5580] =	vst v63  }
0x1f: {  	s23 =	smov.u32 s20;
	s22 =	smov.u32 s21;
	p1 =	seq.s32 s20, $0x9E0  }
.Ltmp3:
0x20: {  	s20 =	sadd.s32 $0x20, s20;
	(pc) =	sbr.rel @!p1 .LBB2_3-.Ltmp3, $2  }
0x21: {  	_ =	sdelay $0x2  }
0x22: {  	s21 =	sadd.s32 $0x100, s21;
	s23 =	sadd.s32 s23, s7  }
0x23: {  	[tilespmem:s22], [sflag:$0x1] =	stream.linear.gather [hbm4b:s23+s3], $0x100, $0x38;
	[tilespmem:$0x5580] =	vst v63  }
.LBB2_8:
0x24: {  	[tilespmem:$0x5000] =	vst v0  }
0x25: {  	[tilespmem:$0x5010] =	vst v0  }
0x26: {  	[tilespmem:$0x5020] =	vst v0  }
0x27: {  	[tilespmem:$0x5030] =	vst v0  }
0x28: {  	[tilespmem:$0x5040] =	vst v0  }
0x29: {  	[tilespmem:$0x5050] =	vst v0  }
0x2a: {  	[tilespmem:$0x5060] =	vst v0  }
0x2b: {  	[tilespmem:$0x5070] =	vst v0  }
0x2c: {  	[tilespmem:$0x5080] =	vst v1  }
0x2d: {  	[tilespmem:$0x5090] =	vst v1  }
0x2e: {  	[tilespmem:$0x50A0] =	vst v1  }
0x2f: {  	[tilespmem:$0x50B0] =	vst v1  }
0x30: {  	[tilespmem:$0x50C0] =	vst v1  }
0x31: {  	[tilespmem:$0x50D0] =	vst v1  }
0x32: {  	[tilespmem:$0x50E0] =	vst v1  }
0x33: {  	[tilespmem:$0x50F0] =	vst v1  }
0x34: {  	[tilespmem:$0x5100] =	vst v1  }
0x35: {  	[tilespmem:$0x5110] =	vst v1  }
0x36: {  	[tilespmem:$0x5120] =	vst v1  }
0x37: {  	[tilespmem:$0x5130] =	vst v1  }
0x38: {  	[tilespmem:$0x5140] =	vst v1  }
0x39: {  	[tilespmem:$0x5150] =	vst v1  }
0x3a: {  	[tilespmem:$0x5160] =	vst v1  }
0x3b: {  	[tilespmem:$0x5170] =	vst v1  }
0x3c: {  	[tilespmem:$0x5180] =	vst v1  }
0x3d: {  	[tilespmem:$0x5190] =	vst v1  }
0x3e: {  	[tilespmem:$0x51A0] =	vst v1  }
0x3f: {  	[tilespmem:$0x51B0] =	vst v1  }
0x40: {  	[tilespmem:$0x51C0] =	vst v1  }
0x41: {  	[tilespmem:$0x51D0] =	vst v1  }
0x42: {  	[tilespmem:$0x51E0] =	vst v1  }
0x43: {  	[tilespmem:$0x51F0] =	vst v1  }
0x44: {  	[tilespmem:$0x5200] =	vst v1  }
0x45: {  	[tilespmem:$0x5210] =	vst v1  }
0x46: {  	[tilespmem:$0x5220] =	vst v1  }
0x47: {  	[tilespmem:$0x5230] =	vst v1  }
0x48: {  	[tilespmem:$0x5240] =	vst v1  }
0x49: {  	[tilespmem:$0x5250] =	vst v1  }
0x4a: {  	[tilespmem:$0x5260] =	vst v1  }
0x4b: {  	[tilespmem:$0x5270] =	vst v1  }
0x4c: {  	[tilespmem:$0x5280] =	vst v1  }
0x4d: {  	[tilespmem:$0x5290] =	vst v1  }
0x4e: {  	[tilespmem:$0x52A0] =	vst v1  }
0x4f: {  	[tilespmem:$0x52B0] =	vst v1  }
0x50: {  	[tilespmem:$0x52C0] =	vst v1  }
0x51: {  	[tilespmem:$0x52D0] =	vst v1  }
0x52: {  	[tilespmem:$0x52E0] =	vst v1  }
0x53: {  	[tilespmem:$0x52F0] =	vst v1  }
0x54: {  	[spmem:s4] =	stream.linear.scatter [tilespmem:s9], [sflag:$0x3], $0x280, $0x38;
	[tilespmem:$0x5580] =	vst v63  }
0x55: {  	_ =	swait.ge [sflag:s10], $0x280  }
0x56: {  	[sflag:s10] =	ssyncset.done $0x0  }
0x57: {  	[sflag:s10] =	ssyncadd.s32 $0xFFFFFD80  }
0x58: {  	_ =	swait.ge [sflag:s11], $0x5000  }
0x59: {  	[sflag:s11] =	ssyncset.done $0x0  }
0x5a: {  	[sflag:s11] =	ssyncadd.s32 $0xFFFFB000  }
0x5b: {  	s20 =	simm.s32 $0x600;
	s21 =	simm.s32 $0x80;
	[bflag:$0x0] =	sbarrier.arrive $0xFFFF  }
.LBB2_9:
0x5c: {  	[spmem:s2] =	stream.indirect.scatter.add.f32 [tilespmem:s13], [sflag:$0x2], $0x1, s21, s12, $0xb8;
	[tilespmem:$0x5580] =	vst v63  }
0x5d: {  	s21 =	smov.u32 s20;
	p1 =	sne.s32 s20, $0x13E00  }
.Ltmp4:
0x5e: {  	s20 =	sadd.s32 $0x400, s20;
	(pc) =	sbr.rel @p1 .LBB2_9-.Ltmp4, $2  }
0x5f: {  	_ =	sdelay $0x2  }
0x60: {  	s21 =	sshra.s32 s21, $0x2  }
0x61: {  	[spmem:s2] =	stream.indirect.scatter.add.f32 [tilespmem:s13], [sflag:$0x2], $0x1, s21, s12, $0xb8;
	[tilespmem:$0x5580] =	vst v63  }
0x62: {  	_ =	swait.ge [sflag:s14], $0x2800  }
0x63: {  	s19 =	sadd.s32 $0x1, s19;
	[sflag:s14] =	ssyncset.done $0x0  }
0x64: {  	p1 =	sne.s32 s19, s6;
	[sflag:s14] =	ssyncadd.s32 $0xFFFFD800  }
.Ltmp5:
0x65: {  	[bflag:$0x0] =	sbarrier.arrive $0xFFFF;
	(pc) =	sbr.rel @p1 .LBB2_1-.Ltmp5, $4  }
0x66: {  	[hbm:s5@s17], [sflag:s15] =	dma.strided [spmem:s16@s18], $0x50, s11, $0x10   }
0x67: {  	_ =	swait.ge [sflag:s10], $0x50  }
0x68: {  	[sflag:s10] =	ssyncset.done $0x0  }
0x69: {  	[sflag:s10] =	ssyncadd.s32 $0xFFFFFFB0  }
0x6a: {  	_ =	sfence.sel $0x180000  }
0x6b: {  	[bflag:$0x0] =	sbarrier.arrive $0xFFFF  }
0x6c: {  	p0 =	sne.s32 s1, $0x0;
	_ =	strace $0x90000047  }
0x6d: {  	s0 =	sadd.s32 @!p0 $0x100000, s0;
	[bflag:$0x2] =	sbarrier.arrive $0xFFFF  }
0x6e: {  	[sflag:s0] =	ssyncadd.tile.s32 @!p0 $0x1;
	_ =	shalt  }
.Lfunc_end2:
_tile_overlayer_lowered:
.L_overlay_start_2:
0x6f: {  	(tag) =	ssettag $0x2  }
0x70: {  	s0 =	rddreg [dreg:$0x0];
	s2 =	stileid.u32  }
0x71: {  	s1 =	rddreg [dreg:$0x1];
	p0 =	sne.s32 s2, $0x0  }
0x72: {  	s3 =	rddreg [dreg:$0x2];
	[bflag:$0x3] =	sbarrier.arrive $0xFFFF;
	s2 =	simm.s32 @!p0 $0x1C03  }
0x73: {  	[timem:s3], [sflag:s2] =	dma.local @!p0 [hbm:s0], s1  }
0x74: {  	s0 =	simm.s32 @!p0 $0x3  }
0x75: {  	_ =	swait.ge @!p0 [sflag:s0], s1  }
0x76: {  	s1 =	ssub.s32 @!p0 $0x0, s1;
	[sflag:s0] =	ssyncset.done @!p0 $0x0  }
0x77: {  	[sflag:s0] =	ssyncadd.s32 @!p0 s1  }
0x78: {  	[bflag:$0x3] =	sbarrier.arrive $0xFFFF  }
0x79: {  	_ =	shalt  }

</sc_bundles>
